<compile_context>
chip_gen: v7x
topology: tpu7x:2x2x1
jax: 0.10.2.dev20260603
libtpu: 0.0.44.dev20260713+nightly
codegen_flags: <defaults>
</compile_context>

<pallas_src>
import functools

import jax
import jax.numpy as jnp
from jax import lax
from jax.experimental import pallas as pl
from jax.experimental.pallas import tpu as pltpu
from jax.experimental.pallas import tpu_sc as plsc

L, N, D_IN, D, F, KNN, H, REPEATS = 1024, 4, 64, 256, 128, 16, 4, 2
B = L * N
DH = D // H
FH = F // 2
TW = 384
TILE_D = 128
SPLIT = 4


def _mm(a, b):
    return lax.dot(a.astype(jnp.bfloat16), b.astype(jnp.bfloat16),
                   preferred_element_type=jnp.float32)


def _mish(x):
    sp = jnp.maximum(x, 0.0) + jnp.log1p(jnp.exp(-jnp.abs(x)))
    return x * jnp.tanh(sp)


def _ln(x, g, b, eps=1e-5):
    m = x.mean(-1, keepdims=True)
    v = ((x - m) ** 2).mean(-1, keepdims=True)
    return (x - m) / jnp.sqrt(v + eps) * g + b


def _featk(feats_ref, c8_ref, mmean_ref, nmask_ref,
           w1_ref, b1_ref, w2_ref, b2_ref, gm_ref, bm_ref,
           ws1_ref, bs1_ref, ws2_ref, bs2_ref, gs_ref, bs_ref,
           wk_ref, wv_ref, wr8_ref,
           feat_out, table_out, pw_out):
    x = feats_ref[:]
    h = _mish(x @ w1_ref[:] + b1_ref[:]) @ w2_ref[:] + b2_ref[:]
    feat = _ln(h, gm_ref[:], bm_ref[:])
    s4 = mmean_ref[:] @ feat
    s4 = jax.nn.sigmoid(
        jnp.maximum(s4 @ ws1_ref[:] + bs1_ref[:], 0.0) @ ws2_ref[:] + bs2_ref[:])
    srow = nmask_ref[:] @ s4
    feat = _ln(feat + feat * srow, gs_ref[:], bs_ref[:])
    fk = feat @ wk_ref[:]
    fv = feat @ wv_ref[:]
    pw = c8_ref[:] @ wr8_ref[:]
    feat_out[:] = feat
    pw_out[:] = pw
    uk = lax.bitcast_convert_type(fk, jnp.uint32)
    uv = lax.bitcast_convert_type(fv, jnp.uint32)
    packed = lax.bitcast_convert_type(
        (uk & jnp.uint32(0xFFFF0000)) | (uv >> 16), jnp.float32)
    pieces = [packed, pw]
    if TW > D + FH:
        pieces.append(jnp.zeros((B, TW - D - FH), jnp.float32))
    table_out[:] = jnp.concatenate(pieces, axis=1)


def _topk(c8_ref, cT_ref, idx_out):
    a = c8_ref[0]
    t = cT_ref[0]
    d2 = ((a[:, 0:1] - t[0:1, :]) ** 2
          + (a[:, 1:2] - t[1:2, :]) ** 2
          + (a[:, 2:3] - t[2:3, :]) ** 2)
    iot = lax.broadcasted_iota(jnp.int32, (L, L), 1)
    cols = []
    for _ in range(KNN):
        am = jnp.argmin(d2, axis=1).astype(jnp.int32)[:, None]
        cols.append(am)
        d2 = jnp.where(iot == am, jnp.float32(1e30), d2)
    idx_out[0] = jnp.concatenate(cols, axis=1)


def _sc_gather(table, gidx, nrows):
    info = plsc.get_sparse_core_info()
    nc, ns = info.num_cores, info.num_subcores
    nw = nc * ns
    rows_w = nrows // nw
    chunk = 64
    steps = rows_w // chunk

    mesh = plsc.VectorSubcoreMesh(core_axis_name="c", subcore_axis_name="s")

    @functools.partial(
        pl.kernel, mesh=mesh,
        out_type=jax.ShapeDtypeStruct((nrows, TW), jnp.float32),
        scratch_types=[
            pltpu.VMEM((chunk,), jnp.int32),
            pltpu.VMEM((chunk, TW), jnp.float32),
            pltpu.SemaphoreType.DMA,
        ],
    )
    def k(table_hbm, gidx_hbm, out_hbm, idx_v, rows_v, sem):
        wid = lax.axis_index("s") * nc + lax.axis_index("c")
        base = wid * rows_w

        def step(i, carry):
            off = base + i * chunk
            pltpu.sync_copy(gidx_hbm.at[pl.ds(off, chunk)], idx_v)
            pltpu.async_copy(table_hbm.at[idx_v], rows_v, sem).wait()
            pltpu.sync_copy(rows_v, out_hbm.at[pl.ds(off, chunk)])
            return carry

        lax.fori_loop(0, steps, step, 0)

    return k(table, gidx)


def _attn(g_ref, feat_ref, pw_ref, seg_ref, segT_ref,
          wposk_ref, wposv_ref, bkk_ref, bvv_ref,
          wq_ref, bq_ref, wo_ref, bo_ref, g1_ref, b1_ref,
          wf1_ref, bf1_ref, wf2_ref, bf2_ref, g2_ref, b2_ref,
          out_ref):
    T = TILE_D
    g = g_ref[:]
    u = lax.bitcast_convert_type(g[:, :, 0:D].reshape(T * KNN, D), jnp.uint32)
    fk = lax.bitcast_convert_type(u & jnp.uint32(0xFFFF0000), jnp.float32)
    fv = lax.bitcast_convert_type(u << 16, jnp.float32)
    pwg = g[:, :, D:D + FH]
    proj = pwg - pw_ref[:][:, None, :]
    tp = (2.0 * jnp.pi) * proj
    ffeat = (jnp.concatenate([jnp.cos(tp), jnp.sin(tp)], axis=-1)
             / jnp.sqrt(jnp.float32(F))).reshape(T * KNN, F)
    kk = (fk + _mm(ffeat, wposk_ref[:]) + bkk_ref[:]).reshape(T, KNN, D)
    vv = (fv + _mm(ffeat, wposv_ref[:]) + bvv_ref[:]).reshape(T, KNN, D)

    tgt = feat_ref[:]
    inv = 1.0 / jnp.sqrt(jnp.float32(DH))
    for _ in range(REPEATS):
        q = _mm(tgt, wq_ref[:]) + bq_ref[:]
        sc = ((kk * q[:, None, :]).reshape(T * KNN, D)
              @ seg_ref[:]).reshape(T, KNN, H) * inv
        m = jnp.max(sc, axis=1, keepdims=True)
        e = jnp.exp(sc - m)
        a = e / jnp.sum(e, axis=1, keepdims=True)
        ab = (a.reshape(T * KNN, H) @ segT_ref[:]).reshape(T, KNN, D)
        att = jnp.sum(ab * vv, axis=1)
        att = _mm(att, wo_ref[:]) + bo_ref[:]
        tgt = _ln(tgt + att, g1_ref[:], b1_ref[:])
        ffn = _mm(_mish(_mm(tgt, wf1_ref[:]) + bf1_ref[:]),
                  wf2_ref[:]) + bf2_ref[:]
        tgt = _ln(tgt + ffn, g2_ref[:], b2_ref[:])
    out_ref[:] = tgt


def kernel(coords, features, Wmlp1, bmlp1, Wmlp2, bmlp2, gmlp, bmlpln,
           Wse1, bse1, Wse2, bse2, gse, bseln, Wr, Wpos, bpos,
           Wq, bq, Wk, bk, Wv, bv, Wo, bo, g1, b1n,
           Wff1, bff1, Wff2, bff2, g2, b2n):
    f32 = jnp.float32
    r2 = lambda v: v.reshape(1, -1)

    feats_flat = features.reshape(B, D_IN)
    c_flat = coords.reshape(B, 3)
    c8 = jnp.pad(c_flat, ((0, 0), (0, 5)))
    wr8 = jnp.pad(Wr, ((0, 5), (0, 0)))
    cn8 = jnp.pad(jnp.transpose(coords, (1, 0, 2)), ((0, 0), (0, 0), (0, 5)))
    cnT = jnp.transpose(cn8, (0, 2, 1))
    nvec = jnp.arange(B, dtype=jnp.int32) % N
    nmask = (nvec[:, None] == jnp.arange(N)[None, :]).astype(f32)
    mmean = nmask.T / f32(L)
    seg = (jnp.arange(D)[:, None] // DH
           == jnp.arange(H)[None, :]).astype(f32)
    segT = seg.T
    wposk = Wpos @ Wk
    wposv = Wpos @ Wv
    bkk = bpos @ Wk + bk
    bvv = bpos @ Wv + bv

    feat, table, pw = pl.pallas_call(
        _featk,
        out_shape=(
            jax.ShapeDtypeStruct((B, D), f32),
            jax.ShapeDtypeStruct((B, TW), f32),
            jax.ShapeDtypeStruct((B, FH), f32),
        ),
    )(feats_flat, c8, mmean, nmask,
      Wmlp1, r2(bmlp1), Wmlp2, r2(bmlp2), r2(gmlp), r2(bmlpln),
      Wse1, r2(bse1), Wse2, r2(bse2), r2(gse), r2(bseln),
      Wk, Wv, wr8)

    idx16 = pl.pallas_call(
        _topk,
        grid=(N,),
        in_specs=[
            pl.BlockSpec((1, L, 8), lambda n: (n, 0, 0)),
            pl.BlockSpec((1, 8, L), lambda n: (n, 0, 0)),
        ],
        out_specs=pl.BlockSpec((1, L, KNN), lambda n: (n, 0, 0)),
        out_shape=jax.ShapeDtypeStruct((N, L, KNN), jnp.int32),
    )(cn8, cnT)

    gidx = (jnp.transpose(idx16, (1, 0, 2)) * N
            + jnp.arange(N, dtype=jnp.int32)[None, :, None]).reshape(KNN * B)

    bs = B // SPLIT
    wts = (seg, segT, wposk, wposv, r2(bkk), r2(bvv),
           Wq, r2(bq), Wo, r2(bo), r2(g1), r2(b1n),
           Wff1, r2(bff1), Wff2, r2(bff2), r2(g2), r2(b2n))
    wspecs = [
        pl.BlockSpec((D, H), lambda i: (0, 0)),
        pl.BlockSpec((H, D), lambda i: (0, 0)),
        pl.BlockSpec((F, D), lambda i: (0, 0)),
        pl.BlockSpec((F, D), lambda i: (0, 0)),
        pl.BlockSpec((1, D), lambda i: (0, 0)),
        pl.BlockSpec((1, D), lambda i: (0, 0)),
        pl.BlockSpec((D, D), lambda i: (0, 0)),
        pl.BlockSpec((1, D), lambda i: (0, 0)),
        pl.BlockSpec((D, D), lambda i: (0, 0)),
        pl.BlockSpec((1, D), lambda i: (0, 0)),
        pl.BlockSpec((1, D), lambda i: (0, 0)),
        pl.BlockSpec((1, D), lambda i: (0, 0)),
        pl.BlockSpec((D, 4 * D), lambda i: (0, 0)),
        pl.BlockSpec((1, 4 * D), lambda i: (0, 0)),
        pl.BlockSpec((4 * D, D), lambda i: (0, 0)),
        pl.BlockSpec((1, D), lambda i: (0, 0)),
        pl.BlockSpec((1, D), lambda i: (0, 0)),
        pl.BlockSpec((1, D), lambda i: (0, 0)),
    ]
    gidx3 = gidx.reshape(SPLIT, bs * KNN)
    feat3 = feat.reshape(SPLIT, bs, D)
    pw3 = pw.reshape(SPLIT, bs, FH)
    parts = []
    for s in range(SPLIT):
        rows_s = _sc_gather(table, gidx3[s], bs * KNN).reshape(bs, KNN, TW)
        part = pl.pallas_call(
            _attn,
            grid=(bs // TILE_D,),
            in_specs=[
                pl.BlockSpec((TILE_D, KNN, TW), lambda i: (i, 0, 0)),
                pl.BlockSpec((TILE_D, D), lambda i: (i, 0)),
                pl.BlockSpec((TILE_D, FH), lambda i: (i, 0)),
            ] + wspecs,
            out_specs=pl.BlockSpec((TILE_D, D), lambda i: (i, 0)),
            out_shape=jax.ShapeDtypeStruct((bs, D), f32),
        )(rows_s, feat3[s], pw3[s], *wts)
        parts.append(part)

    return jnp.concatenate(parts, axis=0).reshape(L, N, D)

# --- scband reference (transcript-rebuilt; emitter-appended) ---
"""Pipeline reference for scband-knntail-33689723469896 (READ-ONLY COPY).

The authoritative reference and input builder live on the scoring server;
editing this copy changes nothing except your own understanding.
"""

import jax, jax.numpy as jnp
import numpy as np

L, N, D_IN, D, F, KNN, H, REPEATS = 1024, 4, 64, 256, 128, 16, 4, 2

def mish(x):
    return x * jnp.tanh(jax.nn.softplus(x))

def ln(x, g, b, eps=1e-5):
    m = x.mean(-1, keepdims=True)
    v = ((x - m) ** 2).mean(-1, keepdims=True)
    return (x - m) / jnp.sqrt(v + eps) * g + b

def _forward(coords, features, Wmlp1, bmlp1, Wmlp2, bmlp2, gmlp, bmlpln, Wse1, bse1, Wse2, bse2, gse, bseln, Wr, Wpos, bpos, Wq, bq, Wk, bk, Wv, bv, Wo, bo, g1, b1n, Wff1, bff1, Wff2, bff2, g2, b2n):
    Lc, Nc, C = coords.shape
    # KNNCluster: k nearest neighbors per point within each cloud
    pts = jnp.transpose(coords, (1, 0, 2))  # [N, L, 3]
    d2 = jnp.sum((pts[:, :, None, :] - pts[:, None, :, :]) ** 2, axis=-1)  # [N, L, L]
    _, idx = jax.lax.top_k(-d2, KNN)  # [N, L, KNN]
    nb = jax.vmap(lambda p, i: p[i])(pts, idx)  # [N, L, KNN, 3]
    nbc = jnp.transpose(nb, (2, 1, 0, 3))  # [KNN, L, N, 3]
    # RelativeLearnableFourierFeatures
    rel = nbc - coords[None]
    proj = rel @ Wr
    ffeat = jnp.concatenate([jnp.cos(2 * jnp.pi * proj), jnp.sin(2 * jnp.pi * proj)], axis=-1) / jnp.sqrt(jnp.float32(F))
    pos_emb = ffeat @ Wpos + bpos  # [KNN, L, N, D]
    # feature MLP + LN
    h = mish(features @ Wmlp1 + bmlp1) @ Wmlp2 + bmlp2
    feat = ln(h, gmlp, bmlpln)
    # SqueezeExcite 1 (squeeze over points dim) + residual + LN
    s = feat.mean(axis=0)
    s = jax.nn.sigmoid(jax.nn.relu(s @ Wse1 + bse1) @ Wse2 + bse2)
    feat = ln(feat + feat * s[None], gse, bseln)
    # gather neighbor features
    fN = jnp.transpose(feat, (1, 0, 2))  # [N, L, D]
    fg = jax.vmap(lambda p, i: p[i])(fN, idx)  # [N, L, KNN, D]
    f = jnp.transpose(fg, (2, 1, 0, 3)) + pos_emb  # [KNN, L, N, D]
    B = Lc * Nc
    tgt = feat.reshape(1, B, D)
    src = f.reshape(KNN, B, D)
    dh = D // H
    # k/v projections shared across repeats (same weights, same src)
    kk = (src @ Wk + bk).reshape(KNN, B, H, dh)
    vv = (src @ Wv + bv).reshape(KNN, B, H, dh)
    for _ in range(REPEATS):
        q = (tgt @ Wq + bq).reshape(1, B, H, dh)
        scores = jnp.einsum('qbhd,kbhd->bhqk', q, kk) / jnp.sqrt(jnp.float32(dh))
        a = jax.nn.softmax(scores, axis=-1)
        att = jnp.einsum('bhqk,kbhd->qbhd', a, vv).reshape(1, B, D)
        att = att @ Wo + bo
        tgt = ln(tgt + att, g1, b1n)
        ffn = mish(tgt @ Wff1 + bff1) @ Wff2 + bff2
        tgt = ln(tgt + ffn, g2, b2n)
    return tgt.reshape(Lc, Nc, D)

def setup_inputs(seed=0):
    key = jax.random.key(seed)
    ks = [jax.random.fold_in(key, i) for i in range(20)]
    def w(k, shape):
        return jax.random.normal(k, shape, dtype=jnp.float32) * 0.02
    z = lambda n: jnp.zeros((n,), jnp.float32)
    o = lambda n: jnp.ones((n,), jnp.float32)
    inp = {}
    inp['coords'] = jax.random.normal(ks[0], (L, N, 3), dtype=jnp.float32)
    inp['features'] = jax.random.normal(ks[1], (L, N, D_IN), dtype=jnp.float32)
    inp['Wmlp1'] = w(ks[2], (D_IN, D)); inp['bmlp1'] = z(D)
    inp['Wmlp2'] = w(ks[3], (D, D)); inp['bmlp2'] = z(D)
    inp['gmlp'] = o(D); inp['bmlpln'] = z(D)
    inp['Wse1'] = w(ks[4], (D, D // 2)); inp['bse1'] = z(D // 2)
    inp['Wse2'] = w(ks[5], (D // 2, D)); inp['bse2'] = z(D)
    inp['gse'] = o(D); inp['bseln'] = z(D)
    inp['Wr'] = w(ks[6], (3, F // 2))
    inp['Wpos'] = w(ks[7], (F, D)); inp['bpos'] = z(D)
    inp['Wq'] = w(ks[8], (D, D)); inp['bq'] = z(D)
    inp['Wk'] = w(ks[9], (D, D)); inp['bk'] = z(D)
    inp['Wv'] = w(ks[10], (D, D)); inp['bv'] = z(D)
    inp['Wo'] = w(ks[11], (D, D)); inp['bo'] = z(D)
    inp['g1'] = o(D); inp['b1n'] = z(D)
    inp['Wff1'] = w(ks[12], (D, 4 * D)); inp['bff1'] = z(4 * D)
    inp['Wff2'] = w(ks[13], (4 * D, D)); inp['bff2'] = z(D)
    inp['g2'] = o(D); inp['b2n'] = z(D)
    return inp

def reference(coords, features, Wmlp1, bmlp1, Wmlp2, bmlp2, gmlp, bmlpln, Wse1, bse1, Wse2, bse2, gse, bseln, Wr, Wpos, bpos, Wq, bq, Wk, bk, Wv, bv, Wo, bo, g1, b1n, Wff1, bff1, Wff2, bff2, g2, b2n):
    return _forward(coords, features, Wmlp1, bmlp1, Wmlp2, bmlp2, gmlp, bmlpln, Wse1, bse1, Wse2, bse2, gse, bseln, Wr, Wpos, bpos, Wq, bq, Wk, bk, Wv, bv, Wo, bo, g1, b1n, Wff1, bff1, Wff2, bff2, g2, b2n)

if __name__ == "__main__":
    import jax
    _d = setup_inputs()
    print(jax.jit(kernel)(*tuple(_d.values())))

</pallas_src>

<mosaic_0001>
#map = affine_map<(d0, d1) -> (0, 0)>
#map1 = affine_map<(d0, d1) -> (0)>
module attributes {stable_mosaic.version = 14 : i64} {
  func.func @k(%arg0: i32, %arg1: i32, %arg2: memref<4096x384xf32, #tpu.memory_space<hbm>>, %arg3: memref<16384xi32, #tpu.memory_space<hbm>>, %arg4: memref<16384x384xf32, #tpu.memory_space<hbm>>, %arg5: memref<64xi32, #tpu.memory_space<vmem>>, %arg6: memref<64x384xf32, #tpu.memory_space<vmem>>, %arg7: memref<!tpu.dma_semaphore, #tpu.memory_space<semaphore_mem>>) attributes {dimension_semantics = [#tpu.dimension_semantics<core_parallel>, #tpu.dimension_semantics<subcore_parallel>], iteration_bounds = array<i64: 2, 16>, scalar_prefetch = 0 : i64, scratch_operands = 3 : i64, tpu.core_type = #tpu.core_type<sc_vector_subcore>, window_params = [{transform_indices = #map}, {transform_indices = #map1}, {transform_indices = #map}]} {
    %mul3A = arith.constant 2 : i32
    %mul3A_0 = arith.muli %arg1, %mul3A : i32
    %add3A = arith.addi %mul3A_0, %arg0 : i32
    %mul3A_1 = arith.constant 512 : i32
    %mul3A_2 = arith.muli %add3A, %mul3A_1 : i32
    %scan3A = arith.constant 0 : i32
    %scan3A_3 = arith.constant 0 : i32
    %scan3A_4 = arith.constant 8 : i32
    %scan3A_5 = arith.addi %scan3A_3, %scan3A_4 : i32
    %scan3A_6 = arith.constant 1 : i32
    scf.for %scan3A_8 = %scan3A_3 to %scan3A_5 step %scan3A_6  : i32 {
      %mul3A_9 = arith.constant 64 : i32
      %mul3A_10 = arith.muli %scan3A_8, %mul3A_9 : i32
      %add3A_11 = arith.addi %mul3A_2, %mul3A_10 : i32
      "tpu.region"() ({
        %run_scoped3A = tpu.sem_alloc : memref<!tpu.dma_semaphore, #tpu.memory_space<semaphore_mem>>
        %dma_start3A_16 = tpu.memref_slice %arg3[%add3A_11] : memref<16384xi32, #tpu.memory_space<hbm>> -> memref<64xi32, #tpu.memory_space<hbm>>
        %dma_start3A_17 = tpu.memref_slice %arg3[%add3A_11] : memref<16384xi32, #tpu.memory_space<hbm>> -> memref<64xi32, #tpu.memory_space<hbm>>
        tpu.enqueue_dma source(%dma_start3A_17 : memref<64xi32, #tpu.memory_space<hbm>>) target(%arg5 : memref<64xi32, #tpu.memory_space<vmem>>) target_semaphore(%run_scoped3A : memref<!tpu.dma_semaphore, #tpu.memory_space<semaphore_mem>>)
        %dma_wait3A_18 = tpu.memref_slice %arg3[%add3A_11] : memref<16384xi32, #tpu.memory_space<hbm>> -> memref<64xi32, #tpu.memory_space<hbm>>
        %dma_wait3A_19 = tpu.memref_slice %arg3[%add3A_11] : memref<16384xi32, #tpu.memory_space<hbm>> -> memref<64xi32, #tpu.memory_space<hbm>>
        tpu.wait_dma2 semaphore(%run_scoped3A : memref<!tpu.dma_semaphore, #tpu.memory_space<semaphore_mem>>) src(%dma_wait3A_19 : memref<64xi32, #tpu.memory_space<hbm>>) dst(%arg5 : memref<64xi32, #tpu.memory_space<vmem>>)
        tpu.yield
      }) : () -> ()
      %dma_start3A = arith.constant 0 : i32
      %dma_start3A_12 = arith.constant 0 : i32
      %dma_start3A_13 = tpu.memref_slice %arg2[%dma_start3A, %dma_start3A_12] : memref<4096x384xf32, #tpu.memory_space<hbm>> -> memref<4096x384xf32, #tpu.memory_space<hbm>>
      tpu.enqueue_indirect_dma source(%dma_start3A_13 : memref<4096x384xf32, #tpu.memory_space<hbm>>) target(%arg6 : memref<64x384xf32, #tpu.memory_space<vmem>>) offsets(%arg5 : memref<64xi32, #tpu.memory_space<vmem>>) semaphore(%arg7 : memref<!tpu.dma_semaphore, #tpu.memory_space<semaphore_mem>>)
      %dma_wait3A = arith.constant 0 : i32
      %dma_wait3A_14 = arith.constant 0 : i32
      %dma_wait3A_15 = tpu.memref_slice %arg2[%dma_wait3A, %dma_wait3A_14] : memref<4096x384xf32, #tpu.memory_space<hbm>> -> memref<4096x384xf32, #tpu.memory_space<hbm>>
      tpu.wait_indirect_dma semaphore(%arg7 : memref<!tpu.dma_semaphore, #tpu.memory_space<semaphore_mem>>) src(%dma_wait3A_15 : memref<4096x384xf32, #tpu.memory_space<hbm>>) dst(%arg6 : memref<64x384xf32, #tpu.memory_space<vmem>>)
      "tpu.region"() ({
        %run_scoped3A = tpu.sem_alloc : memref<!tpu.dma_semaphore, #tpu.memory_space<semaphore_mem>>
        %dma_start3A_16 = arith.constant 0 : i32
        %dma_start3A_17 = tpu.memref_slice %arg4[%add3A_11, %dma_start3A_16] : memref<16384x384xf32, #tpu.memory_space<hbm>> -> memref<64x384xf32, #tpu.memory_space<hbm>>
        %dma_start3A_18 = arith.constant 0 : i32
        %dma_start3A_19 = tpu.memref_slice %arg4[%add3A_11, %dma_start3A_18] : memref<16384x384xf32, #tpu.memory_space<hbm>> -> memref<64x384xf32, #tpu.memory_space<hbm>>
        tpu.enqueue_dma source(%arg6 : memref<64x384xf32, #tpu.memory_space<vmem>>) target(%dma_start3A_19 : memref<64x384xf32, #tpu.memory_space<hbm>>) target_semaphore(%run_scoped3A : memref<!tpu.dma_semaphore, #tpu.memory_space<semaphore_mem>>)
        %dma_wait3A_20 = arith.constant 0 : i32
        %dma_wait3A_21 = tpu.memref_slice %arg4[%add3A_11, %dma_wait3A_20] : memref<16384x384xf32, #tpu.memory_space<hbm>> -> memref<64x384xf32, #tpu.memory_space<hbm>>
        %dma_wait3A_22 = arith.constant 0 : i32
        %dma_wait3A_23 = tpu.memref_slice %arg4[%add3A_11, %dma_wait3A_22] : memref<16384x384xf32, #tpu.memory_space<hbm>> -> memref<64x384xf32, #tpu.memory_space<hbm>>
        tpu.wait_dma2 semaphore(%run_scoped3A : memref<!tpu.dma_semaphore, #tpu.memory_space<semaphore_mem>>) src(%arg6 : memref<64x384xf32, #tpu.memory_space<vmem>>) dst(%dma_wait3A_23 : memref<64x384xf32, #tpu.memory_space<hbm>>)
        tpu.yield
      }) : () -> ()
    }
    %scan3A_7 = arith.constant 8 : i32
    return
  }
}

#map = affine_map<(d0, d1) -> (0, 0)>
#map1 = affine_map<(d0, d1) -> (0)>
module attributes {stable_mosaic.version = 14 : i64} {
  func.func @k(%arg0: i32, %arg1: i32, %arg2: memref<4096x384xf32, #tpu.memory_space<hbm>>, %arg3: memref<16384xi32, #tpu.memory_space<hbm>>, %arg4: memref<16384x384xf32, #tpu.memory_space<hbm>>, %arg5: memref<64xi32, #tpu.memory_space<vmem>>, %arg6: memref<64x384xf32, #tpu.memory_space<vmem>>, %arg7: memref<!tpu.dma_semaphore, #tpu.memory_space<semaphore_mem>>) attributes {dimension_semantics = [#tpu.dimension_semantics<core_parallel>, #tpu.dimension_semantics<subcore_parallel>], iteration_bounds = array<i64: 2, 16>, scalar_prefetch = 0 : i64, scratch_operands = 3 : i64, tpu.core_type = #tpu.core_type<sc_vector_subcore>, window_params = [{transform_indices = #map}, {transform_indices = #map1}, {transform_indices = #map}]} {
    %mul3A = arith.constant 2 : i32
    %mul3A_0 = arith.muli %arg1, %mul3A : i32
    %add3A = arith.addi %mul3A_0, %arg0 : i32
    %mul3A_1 = arith.constant 512 : i32
    %mul3A_2 = arith.muli %add3A, %mul3A_1 : i32
    %scan3A = arith.constant 0 : i32
    %scan3A_3 = arith.constant 0 : i32
    %scan3A_4 = arith.constant 8 : i32
    %scan3A_5 = arith.addi %scan3A_3, %scan3A_4 : i32
    %scan3A_6 = arith.constant 1 : i32
    scf.for %scan3A_8 = %scan3A_3 to %scan3A_5 step %scan3A_6  : i32 {
      %mul3A_9 = arith.constant 64 : i32
      %mul3A_10 = arith.muli %scan3A_8, %mul3A_9 : i32
      %add3A_11 = arith.addi %mul3A_2, %mul3A_10 : i32
      "tpu.region"() ({
        %run_scoped3A = tpu.sem_alloc : memref<!tpu.dma_semaphore, #tpu.memory_space<semaphore_mem>>
        %dma_start3A_16 = tpu.memref_slice %arg3[%add3A_11] : memref<16384xi32, #tpu.memory_space<hbm>> -> memref<64xi32, #tpu.memory_space<hbm>>
        %dma_start3A_17 = tpu.memref_slice %arg3[%add3A_11] : memref<16384xi32, #tpu.memory_space<hbm>> -> memref<64xi32, #tpu.memory_space<hbm>>
        tpu.enqueue_dma source(%dma_start3A_17 : memref<64xi32, #tpu.memory_space<hbm>>) target(%arg5 : memref<64xi32, #tpu.memory_space<vmem>>) target_semaphore(%run_scoped3A : memref<!tpu.dma_semaphore, #tpu.memory_space<semaphore_mem>>)
        %dma_wait3A_18 = tpu.memref_slice %arg3[%add3A_11] : memref<16384xi32, #tpu.memory_space<hbm>> -> memref<64xi32, #tpu.memory_space<hbm>>
        %dma_wait3A_19 = tpu.memref_slice %arg3[%add3A_11] : memref<16384xi32, #tpu.memory_space<hbm>> -> memref<64xi32, #tpu.memory_space<hbm>>
        tpu.wait_dma2 semaphore(%run_scoped3A : memref<!tpu.dma_semaphore, #tpu.memory_space<semaphore_mem>>) src(%dma_wait3A_19 : memref<64xi32, #tpu.memory_space<hbm>>) dst(%arg5 : memref<64xi32, #tpu.memory_space<vmem>>)
        tpu.yield
      }) : () -> ()
      %dma_start3A = arith.constant 0 : i32
      %dma_start3A_12 = arith.constant 0 : i32
      %dma_start3A_13 = tpu.memref_slice %arg2[%dma_start3A, %dma_start3A_12] : memref<4096x384xf32, #tpu.memory_space<hbm>> -> memref<4096x384xf32, #tpu.memory_space<hbm>>
      tpu.enqueue_indirect_dma source(%dma_start3A_13 : memref<4096x384xf32, #tpu.memory_space<hbm>>) target(%arg6 : memref<64x384xf32, #tpu.memory_space<vmem>>) offsets(%arg5 : memref<64xi32, #tpu.memory_space<vmem>>) semaphore(%arg7 : memref<!tpu.dma_semaphore, #tpu.memory_space<semaphore_mem>>)
      %dma_wait3A = arith.constant 0 : i32
      %dma_wait3A_14 = arith.constant 0 : i32
      %dma_wait3A_15 = tpu.memref_slice %arg2[%dma_wait3A, %dma_wait3A_14] : memref<4096x384xf32, #tpu.memory_space<hbm>> -> memref<4096x384xf32, #tpu.memory_space<hbm>>
      tpu.wait_indirect_dma semaphore(%arg7 : memref<!tpu.dma_semaphore, #tpu.memory_space<semaphore_mem>>) src(%dma_wait3A_15 : memref<4096x384xf32, #tpu.memory_space<hbm>>) dst(%arg6 : memref<64x384xf32, #tpu.memory_space<vmem>>)
      "tpu.region"() ({
        %run_scoped3A = tpu.sem_alloc : memref<!tpu.dma_semaphore, #tpu.memory_space<semaphore_mem>>
        %dma_start3A_16 = arith.constant 0 : i32
        %dma_start3A_17 = tpu.memref_slice %arg4[%add3A_11, %dma_start3A_16] : memref<16384x384xf32, #tpu.memory_space<hbm>> -> memref<64x384xf32, #tpu.memory_space<hbm>>
        %dma_start3A_18 = arith.constant 0 : i32
        %dma_start3A_19 = tpu.memref_slice %arg4[%add3A_11, %dma_start3A_18] : memref<16384x384xf32, #tpu.memory_space<hbm>> -> memref<64x384xf32, #tpu.memory_space<hbm>>
        tpu.enqueue_dma source(%arg6 : memref<64x384xf32, #tpu.memory_space<vmem>>) target(%dma_start3A_19 : memref<64x384xf32, #tpu.memory_space<hbm>>) target_semaphore(%run_scoped3A : memref<!tpu.dma_semaphore, #tpu.memory_space<semaphore_mem>>)
        %dma_wait3A_20 = arith.constant 0 : i32
        %dma_wait3A_21 = tpu.memref_slice %arg4[%add3A_11, %dma_wait3A_20] : memref<16384x384xf32, #tpu.memory_space<hbm>> -> memref<64x384xf32, #tpu.memory_space<hbm>>
        %dma_wait3A_22 = arith.constant 0 : i32
        %dma_wait3A_23 = tpu.memref_slice %arg4[%add3A_11, %dma_wait3A_22] : memref<16384x384xf32, #tpu.memory_space<hbm>> -> memref<64x384xf32, #tpu.memory_space<hbm>>
        tpu.wait_dma2 semaphore(%run_scoped3A : memref<!tpu.dma_semaphore, #tpu.memory_space<semaphore_mem>>) src(%arg6 : memref<64x384xf32, #tpu.memory_space<vmem>>) dst(%dma_wait3A_23 : memref<64x384xf32, #tpu.memory_space<hbm>>)
        tpu.yield
      }) : () -> ()
    }
    %scan3A_7 = arith.constant 8 : i32
    return
  }
}

#map = affine_map<(d0, d1) -> (0, 0)>
#map1 = affine_map<(d0, d1) -> (0)>
module attributes {stable_mosaic.version = 14 : i64} {
  func.func @k(%arg0: i32, %arg1: i32, %arg2: memref<4096x384xf32, #tpu.memory_space<hbm>>, %arg3: memref<16384xi32, #tpu.memory_space<hbm>>, %arg4: memref<16384x384xf32, #tpu.memory_space<hbm>>, %arg5: memref<64xi32, #tpu.memory_space<vmem>>, %arg6: memref<64x384xf32, #tpu.memory_space<vmem>>, %arg7: memref<!tpu.dma_semaphore, #tpu.memory_space<semaphore_mem>>) attributes {dimension_semantics = [#tpu.dimension_semantics<core_parallel>, #tpu.dimension_semantics<subcore_parallel>], iteration_bounds = array<i64: 2, 16>, scalar_prefetch = 0 : i64, scratch_operands = 3 : i64, tpu.core_type = #tpu.core_type<sc_vector_subcore>, window_params = [{transform_indices = #map}, {transform_indices = #map1}, {transform_indices = #map}]} {
    %mul3A = arith.constant 2 : i32
    %mul3A_0 = arith.muli %arg1, %mul3A : i32
    %add3A = arith.addi %mul3A_0, %arg0 : i32
    %mul3A_1 = arith.constant 512 : i32
    %mul3A_2 = arith.muli %add3A, %mul3A_1 : i32
    %scan3A = arith.constant 0 : i32
    %scan3A_3 = arith.constant 0 : i32
    %scan3A_4 = arith.constant 8 : i32
    %scan3A_5 = arith.addi %scan3A_3, %scan3A_4 : i32
    %scan3A_6 = arith.constant 1 : i32
    scf.for %scan3A_8 = %scan3A_3 to %scan3A_5 step %scan3A_6  : i32 {
      %mul3A_9 = arith.constant 64 : i32
      %mul3A_10 = arith.muli %scan3A_8, %mul3A_9 : i32
      %add3A_11 = arith.addi %mul3A_2, %mul3A_10 : i32
      "tpu.region"() ({
        %run_scoped3A = tpu.sem_alloc : memref<!tpu.dma_semaphore, #tpu.memory_space<semaphore_mem>>
        %dma_start3A_16 = tpu.memref_slice %arg3[%add3A_11] : memref<16384xi32, #tpu.memory_space<hbm>> -> memref<64xi32, #tpu.memory_space<hbm>>
        %dma_start3A_17 = tpu.memref_slice %arg3[%add3A_11] : memref<16384xi32, #tpu.memory_space<hbm>> -> memref<64xi32, #tpu.memory_space<hbm>>
        tpu.enqueue_dma source(%dma_start3A_17 : memref<64xi32, #tpu.memory_space<hbm>>) target(%arg5 : memref<64xi32, #tpu.memory_space<vmem>>) target_semaphore(%run_scoped3A : memref<!tpu.dma_semaphore, #tpu.memory_space<semaphore_mem>>)
        %dma_wait3A_18 = tpu.memref_slice %arg3[%add3A_11] : memref<16384xi32, #tpu.memory_space<hbm>> -> memref<64xi32, #tpu.memory_space<hbm>>
        %dma_wait3A_19 = tpu.memref_slice %arg3[%add3A_11] : memref<16384xi32, #tpu.memory_space<hbm>> -> memref<64xi32, #tpu.memory_space<hbm>>
        tpu.wait_dma2 semaphore(%run_scoped3A : memref<!tpu.dma_semaphore, #tpu.memory_space<semaphore_mem>>) src(%dma_wait3A_19 : memref<64xi32, #tpu.memory_space<hbm>>) dst(%arg5 : memref<64xi32, #tpu.memory_space<vmem>>)
        tpu.yield
      }) : () -> ()
      %dma_start3A = arith.constant 0 : i32
      %dma_start3A_12 = arith.constant 0 : i32
      %dma_start3A_13 = tpu.memref_slice %arg2[%dma_start3A, %dma_start3A_12] : memref<4096x384xf32, #tpu.memory_space<hbm>> -> memref<4096x384xf32, #tpu.memory_space<hbm>>
      tpu.enqueue_indirect_dma source(%dma_start3A_13 : memref<4096x384xf32, #tpu.memory_space<hbm>>) target(%arg6 : memref<64x384xf32, #tpu.memory_space<vmem>>) offsets(%arg5 : memref<64xi32, #tpu.memory_space<vmem>>) semaphore(%arg7 : memref<!tpu.dma_semaphore, #tpu.memory_space<semaphore_mem>>)
      %dma_wait3A = arith.constant 0 : i32
      %dma_wait3A_14 = arith.constant 0 : i32
      %dma_wait3A_15 = tpu.memref_slice %arg2[%dma_wait3A, %dma_wait3A_14] : memref<4096x384xf32, #tpu.memory_space<hbm>> -> memref<4096x384xf32, #tpu.memory_space<hbm>>
      tpu.wait_indirect_dma semaphore(%arg7 : memref<!tpu.dma_semaphore, #tpu.memory_space<semaphore_mem>>) src(%dma_wait3A_15 : memref<4096x384xf32, #tpu.memory_space<hbm>>) dst(%arg6 : memref<64x384xf32, #tpu.memory_space<vmem>>)
      "tpu.region"() ({
        %run_scoped3A = tpu.sem_alloc : memref<!tpu.dma_semaphore, #tpu.memory_space<semaphore_mem>>
        %dma_start3A_16 = arith.constant 0 : i32
        %dma_start3A_17 = tpu.memref_slice %arg4[%add3A_11, %dma_start3A_16] : memref<16384x384xf32, #tpu.memory_space<hbm>> -> memref<64x384xf32, #tpu.memory_space<hbm>>
        %dma_start3A_18 = arith.constant 0 : i32
        %dma_start3A_19 = tpu.memref_slice %arg4[%add3A_11, %dma_start3A_18] : memref<16384x384xf32, #tpu.memory_space<hbm>> -> memref<64x384xf32, #tpu.memory_space<hbm>>
        tpu.enqueue_dma source(%arg6 : memref<64x384xf32, #tpu.memory_space<vmem>>) target(%dma_start3A_19 : memref<64x384xf32, #tpu.memory_space<hbm>>) target_semaphore(%run_scoped3A : memref<!tpu.dma_semaphore, #tpu.memory_space<semaphore_mem>>)
        %dma_wait3A_20 = arith.constant 0 : i32
        %dma_wait3A_21 = tpu.memref_slice %arg4[%add3A_11, %dma_wait3A_20] : memref<16384x384xf32, #tpu.memory_space<hbm>> -> memref<64x384xf32, #tpu.memory_space<hbm>>
        %dma_wait3A_22 = arith.constant 0 : i32
        %dma_wait3A_23 = tpu.memref_slice %arg4[%add3A_11, %dma_wait3A_22] : memref<16384x384xf32, #tpu.memory_space<hbm>> -> memref<64x384xf32, #tpu.memory_space<hbm>>
        tpu.wait_dma2 semaphore(%run_scoped3A : memref<!tpu.dma_semaphore, #tpu.memory_space<semaphore_mem>>) src(%arg6 : memref<64x384xf32, #tpu.memory_space<vmem>>) dst(%dma_wait3A_23 : memref<64x384xf32, #tpu.memory_space<hbm>>)
        tpu.yield
      }) : () -> ()
    }
    %scan3A_7 = arith.constant 8 : i32
    return
  }
}

#map = affine_map<(d0, d1) -> (0, 0)>
#map1 = affine_map<(d0, d1) -> (0)>
module attributes {stable_mosaic.version = 14 : i64} {
  func.func @k(%arg0: i32, %arg1: i32, %arg2: memref<4096x384xf32, #tpu.memory_space<hbm>>, %arg3: memref<16384xi32, #tpu.memory_space<hbm>>, %arg4: memref<16384x384xf32, #tpu.memory_space<hbm>>, %arg5: memref<64xi32, #tpu.memory_space<vmem>>, %arg6: memref<64x384xf32, #tpu.memory_space<vmem>>, %arg7: memref<!tpu.dma_semaphore, #tpu.memory_space<semaphore_mem>>) attributes {dimension_semantics = [#tpu.dimension_semantics<core_parallel>, #tpu.dimension_semantics<subcore_parallel>], iteration_bounds = array<i64: 2, 16>, scalar_prefetch = 0 : i64, scratch_operands = 3 : i64, tpu.core_type = #tpu.core_type<sc_vector_subcore>, window_params = [{transform_indices = #map}, {transform_indices = #map1}, {transform_indices = #map}]} {
    %mul3A = arith.constant 2 : i32
    %mul3A_0 = arith.muli %arg1, %mul3A : i32
    %add3A = arith.addi %mul3A_0, %arg0 : i32
    %mul3A_1 = arith.constant 512 : i32
    %mul3A_2 = arith.muli %add3A, %mul3A_1 : i32
    %scan3A = arith.constant 0 : i32
    %scan3A_3 = arith.constant 0 : i32
    %scan3A_4 = arith.constant 8 : i32
    %scan3A_5 = arith.addi %scan3A_3, %scan3A_4 : i32
    %scan3A_6 = arith.constant 1 : i32
    scf.for %scan3A_8 = %scan3A_3 to %scan3A_5 step %scan3A_6  : i32 {
      %mul3A_9 = arith.constant 64 : i32
      %mul3A_10 = arith.muli %scan3A_8, %mul3A_9 : i32
      %add3A_11 = arith.addi %mul3A_2, %mul3A_10 : i32
      "tpu.region"() ({
        %run_scoped3A = tpu.sem_alloc : memref<!tpu.dma_semaphore, #tpu.memory_space<semaphore_mem>>
        %dma_start3A_16 = tpu.memref_slice %arg3[%add3A_11] : memref<16384xi32, #tpu.memory_space<hbm>> -> memref<64xi32, #tpu.memory_space<hbm>>
        %dma_start3A_17 = tpu.memref_slice %arg3[%add3A_11] : memref<16384xi32, #tpu.memory_space<hbm>> -> memref<64xi32, #tpu.memory_space<hbm>>
        tpu.enqueue_dma source(%dma_start3A_17 : memref<64xi32, #tpu.memory_space<hbm>>) target(%arg5 : memref<64xi32, #tpu.memory_space<vmem>>) target_semaphore(%run_scoped3A : memref<!tpu.dma_semaphore, #tpu.memory_space<semaphore_mem>>)
        %dma_wait3A_18 = tpu.memref_slice %arg3[%add3A_11] : memref<16384xi32, #tpu.memory_space<hbm>> -> memref<64xi32, #tpu.memory_space<hbm>>
        %dma_wait3A_19 = tpu.memref_slice %arg3[%add3A_11] : memref<16384xi32, #tpu.memory_space<hbm>> -> memref<64xi32, #tpu.memory_space<hbm>>
        tpu.wait_dma2 semaphore(%run_scoped3A : memref<!tpu.dma_semaphore, #tpu.memory_space<semaphore_mem>>) src(%dma_wait3A_19 : memref<64xi32, #tpu.memory_space<hbm>>) dst(%arg5 : memref<64xi32, #tpu.memory_space<vmem>>)
        tpu.yield
      }) : () -> ()
      %dma_start3A = arith.constant 0 : i32
      %dma_start3A_12 = arith.constant 0 : i32
      %dma_start3A_13 = tpu.memref_slice %arg2[%dma_start3A, %dma_start3A_12] : memref<4096x384xf32, #tpu.memory_space<hbm>> -> memref<4096x384xf32, #tpu.memory_space<hbm>>
      tpu.enqueue_indirect_dma source(%dma_start3A_13 : memref<4096x384xf32, #tpu.memory_space<hbm>>) target(%arg6 : memref<64x384xf32, #tpu.memory_space<vmem>>) offsets(%arg5 : memref<64xi32, #tpu.memory_space<vmem>>) semaphore(%arg7 : memref<!tpu.dma_semaphore, #tpu.memory_space<semaphore_mem>>)
      %dma_wait3A = arith.constant 0 : i32
      %dma_wait3A_14 = arith.constant 0 : i32
      %dma_wait3A_15 = tpu.memref_slice %arg2[%dma_wait3A, %dma_wait3A_14] : memref<4096x384xf32, #tpu.memory_space<hbm>> -> memref<4096x384xf32, #tpu.memory_space<hbm>>
      tpu.wait_indirect_dma semaphore(%arg7 : memref<!tpu.dma_semaphore, #tpu.memory_space<semaphore_mem>>) src(%dma_wait3A_15 : memref<4096x384xf32, #tpu.memory_space<hbm>>) dst(%arg6 : memref<64x384xf32, #tpu.memory_space<vmem>>)
      "tpu.region"() ({
        %run_scoped3A = tpu.sem_alloc : memref<!tpu.dma_semaphore, #tpu.memory_space<semaphore_mem>>
        %dma_start3A_16 = arith.constant 0 : i32
        %dma_start3A_17 = tpu.memref_slice %arg4[%add3A_11, %dma_start3A_16] : memref<16384x384xf32, #tpu.memory_space<hbm>> -> memref<64x384xf32, #tpu.memory_space<hbm>>
        %dma_start3A_18 = arith.constant 0 : i32
        %dma_start3A_19 = tpu.memref_slice %arg4[%add3A_11, %dma_start3A_18] : memref<16384x384xf32, #tpu.memory_space<hbm>> -> memref<64x384xf32, #tpu.memory_space<hbm>>
        tpu.enqueue_dma source(%arg6 : memref<64x384xf32, #tpu.memory_space<vmem>>) target(%dma_start3A_19 : memref<64x384xf32, #tpu.memory_space<hbm>>) target_semaphore(%run_scoped3A : memref<!tpu.dma_semaphore, #tpu.memory_space<semaphore_mem>>)
        %dma_wait3A_20 = arith.constant 0 : i32
        %dma_wait3A_21 = tpu.memref_slice %arg4[%add3A_11, %dma_wait3A_20] : memref<16384x384xf32, #tpu.memory_space<hbm>> -> memref<64x384xf32, #tpu.memory_space<hbm>>
        %dma_wait3A_22 = arith.constant 0 : i32
        %dma_wait3A_23 = tpu.memref_slice %arg4[%add3A_11, %dma_wait3A_22] : memref<16384x384xf32, #tpu.memory_space<hbm>> -> memref<64x384xf32, #tpu.memory_space<hbm>>
        tpu.wait_dma2 semaphore(%run_scoped3A : memref<!tpu.dma_semaphore, #tpu.memory_space<semaphore_mem>>) src(%arg6 : memref<64x384xf32, #tpu.memory_space<vmem>>) dst(%dma_wait3A_23 : memref<64x384xf32, #tpu.memory_space<hbm>>)
        tpu.yield
      }) : () -> ()
    }
    %scan3A_7 = arith.constant 8 : i32
    return
  }
}

module attributes {stable_mosaic.version = 14 : i64} {
  func.func @_topk(%arg0: i32, %arg1: memref<1x1024x8xf32, #tpu.memory_space<vmem>>, %arg2: memref<1x8x1024xf32, #tpu.memory_space<vmem>>, %arg3: memref<1x1024x16xi32, #tpu.memory_space<vmem>>) attributes {dimension_semantics = [#tpu.dimension_semantics<arbitrary>], iteration_bounds = array<i64: 4>, scalar_prefetch = 0 : i64, scratch_operands = 0 : i64, tpu.core_type = #tpu.core_type<tc>, window_params = [{transform_indices = @transform_0, window_bounds = array<i64: 1, 1024, 8>}, {transform_indices = @transform_1, window_bounds = array<i64: 1, 8, 1024>}, {transform_indices = @transform_2, window_bounds = array<i64: 1, 1024, 16>}]} {
    %get3A = arith.constant 0 : index
    %get3A_0 = arith.constant 0 : index
    %get3A_1 = arith.constant 0 : index
    %get3A_2 = vector.load %arg1[%get3A, %get3A_0, %get3A_1] : memref<1x1024x8xf32, #tpu.memory_space<vmem>>, vector<1x1024x8xf32>
    %get3A_3 = vector.shape_cast %get3A_2 : vector<1x1024x8xf32> to vector<1024x8xf32>
    %get3A_4 = arith.constant 0 : index
    %get3A_5 = arith.constant 0 : index
    %get3A_6 = arith.constant 0 : index
    %get3A_7 = vector.load %arg2[%get3A_4, %get3A_5, %get3A_6] : memref<1x8x1024xf32, #tpu.memory_space<vmem>>, vector<1x8x1024xf32>
    %get3A_8 = vector.shape_cast %get3A_7 : vector<1x8x1024xf32> to vector<8x1024xf32>
    %slice3A = vector.extract_strided_slice %get3A_3 {offsets = [0, 0], sizes = [1024, 1], strides = [1, 1]} : vector<1024x8xf32> to vector<1024x1xf32>
    %slice3A_9 = vector.extract_strided_slice %get3A_8 {offsets = [0, 0], sizes = [1, 1024], strides = [1, 1]} : vector<8x1024xf32> to vector<1x1024xf32>
    %sub3A = vector.broadcast %slice3A : vector<1024x1xf32> to vector<1024x1024xf32>
    %sub3A_10 = vector.broadcast %slice3A_9 : vector<1x1024xf32> to vector<1024x1024xf32>
    %sub3A_11 = arith.subf %sub3A, %sub3A_10 : vector<1024x1024xf32>
    %integer_pow3A = arith.mulf %sub3A_11, %sub3A_11 : vector<1024x1024xf32>
    %slice3A_12 = vector.extract_strided_slice %get3A_3 {offsets = [0, 1], sizes = [1024, 1], strides = [1, 1]} : vector<1024x8xf32> to vector<1024x1xf32>
    %slice3A_13 = vector.extract_strided_slice %get3A_8 {offsets = [1, 0], sizes = [1, 1024], strides = [1, 1]} : vector<8x1024xf32> to vector<1x1024xf32>
    %sub3A_14 = vector.broadcast %slice3A_12 : vector<1024x1xf32> to vector<1024x1024xf32>
    %sub3A_15 = vector.broadcast %slice3A_13 : vector<1x1024xf32> to vector<1024x1024xf32>
    %sub3A_16 = arith.subf %sub3A_14, %sub3A_15 : vector<1024x1024xf32>
    %integer_pow3A_17 = arith.mulf %sub3A_16, %sub3A_16 : vector<1024x1024xf32>
    %add3A = arith.addf %integer_pow3A, %integer_pow3A_17 : vector<1024x1024xf32>
    %slice3A_18 = vector.extract_strided_slice %get3A_3 {offsets = [0, 2], sizes = [1024, 1], strides = [1, 1]} : vector<1024x8xf32> to vector<1024x1xf32>
    %slice3A_19 = vector.extract_strided_slice %get3A_8 {offsets = [2, 0], sizes = [1, 1024], strides = [1, 1]} : vector<8x1024xf32> to vector<1x1024xf32>
    %sub3A_20 = vector.broadcast %slice3A_18 : vector<1024x1xf32> to vector<1024x1024xf32>
    %sub3A_21 = vector.broadcast %slice3A_19 : vector<1x1024xf32> to vector<1024x1024xf32>
    %sub3A_22 = arith.subf %sub3A_20, %sub3A_21 : vector<1024x1024xf32>
    %integer_pow3A_23 = arith.mulf %sub3A_22, %sub3A_22 : vector<1024x1024xf32>
    %add3A_24 = arith.addf %add3A, %integer_pow3A_23 : vector<1024x1024xf32>
    %iota3A = tpu.iota {dimensions = array<i32: 1>} : vector<1024x1024xi32>
    %argmin3A = tpu.reduce_index %add3A_24 {axis = 1 : i32, kind = #tpu.reduction_kind<arg_min>} : vector<1024x1024xf32> -> vector<1024xi32>
    %broadcast_in_dim3A = vector.shape_cast %argmin3A : vector<1024xi32> to vector<1024x1xi32>
    %eq3A = vector.broadcast %broadcast_in_dim3A : vector<1024x1xi32> to vector<1024x1024xi32>
    %eq3A_25 = arith.cmpi eq, %iota3A, %eq3A : vector<1024x1024xi32>
    %jit3A = arith.constant 1.000000e+30 : f32
    %broadcast_in_dim3A_26 = vector.broadcast %jit3A : f32 to vector<1024x1024xf32>
    %select_n3A = arith.select %eq3A_25, %broadcast_in_dim3A_26, %add3A_24 : vector<1024x1024xi1>, vector<1024x1024xf32>
    %argmin3A_27 = tpu.reduce_index %select_n3A {axis = 1 : i32, kind = #tpu.reduction_kind<arg_min>} : vector<1024x1024xf32> -> vector<1024xi32>
    %broadcast_in_dim3A_28 = vector.shape_cast %argmin3A_27 : vector<1024xi32> to vector<1024x1xi32>
    %eq3A_29 = vector.broadcast %broadcast_in_dim3A_28 : vector<1024x1xi32> to vector<1024x1024xi32>
    %eq3A_30 = arith.cmpi eq, %iota3A, %eq3A_29 : vector<1024x1024xi32>
    %jit3A_31 = arith.constant 1.000000e+30 : f32
    %broadcast_in_dim3A_32 = vector.broadcast %jit3A_31 : f32 to vector<1024x1024xf32>
    %select_n3A_33 = arith.select %eq3A_30, %broadcast_in_dim3A_32, %select_n3A : vector<1024x1024xi1>, vector<1024x1024xf32>
    %argmin3A_34 = tpu.reduce_index %select_n3A_33 {axis = 1 : i32, kind = #tpu.reduction_kind<arg_min>} : vector<1024x1024xf32> -> vector<1024xi32>
    %broadcast_in_dim3A_35 = vector.shape_cast %argmin3A_34 : vector<1024xi32> to vector<1024x1xi32>
    %eq3A_36 = vector.broadcast %broadcast_in_dim3A_35 : vector<1024x1xi32> to vector<1024x1024xi32>
    %eq3A_37 = arith.cmpi eq, %iota3A, %eq3A_36 : vector<1024x1024xi32>
    %jit3A_38 = arith.constant 1.000000e+30 : f32
    %broadcast_in_dim3A_39 = vector.broadcast %jit3A_38 : f32 to vector<1024x1024xf32>
    %select_n3A_40 = arith.select %eq3A_37, %broadcast_in_dim3A_39, %select_n3A_33 : vector<1024x1024xi1>, vector<1024x1024xf32>
    %argmin3A_41 = tpu.reduce_index %select_n3A_40 {axis = 1 : i32, kind = #tpu.reduction_kind<arg_min>} : vector<1024x1024xf32> -> vector<1024xi32>
    %broadcast_in_dim3A_42 = vector.shape_cast %argmin3A_41 : vector<1024xi32> to vector<1024x1xi32>
    %eq3A_43 = vector.broadcast %broadcast_in_dim3A_42 : vector<1024x1xi32> to vector<1024x1024xi32>
    %eq3A_44 = arith.cmpi eq, %iota3A, %eq3A_43 : vector<1024x1024xi32>
    %jit3A_45 = arith.constant 1.000000e+30 : f32
    %broadcast_in_dim3A_46 = vector.broadcast %jit3A_45 : f32 to vector<1024x1024xf32>
    %select_n3A_47 = arith.select %eq3A_44, %broadcast_in_dim3A_46, %select_n3A_40 : vector<1024x1024xi1>, vector<1024x1024xf32>
    %argmin3A_48 = tpu.reduce_index %select_n3A_47 {axis = 1 : i32, kind = #tpu.reduction_kind<arg_min>} : vector<1024x1024xf32> -> vector<1024xi32>
    %broadcast_in_dim3A_49 = vector.shape_cast %argmin3A_48 : vector<1024xi32> to vector<1024x1xi32>
    %eq3A_50 = vector.broadcast %broadcast_in_dim3A_49 : vector<1024x1xi32> to vector<1024x1024xi32>
    %eq3A_51 = arith.cmpi eq, %iota3A, %eq3A_50 : vector<1024x1024xi32>
    %jit3A_52 = arith.constant 1.000000e+30 : f32
    %broadcast_in_dim3A_53 = vector.broadcast %jit3A_52 : f32 to vector<1024x1024xf32>
    %select_n3A_54 = arith.select %eq3A_51, %broadcast_in_dim3A_53, %select_n3A_47 : vector<1024x1024xi1>, vector<1024x1024xf32>
    %argmin3A_55 = tpu.reduce_index %select_n3A_54 {axis = 1 : i32, kind = #tpu.reduction_kind<arg_min>} : vector<1024x1024xf32> -> vector<1024xi32>
    %broadcast_in_dim3A_56 = vector.shape_cast %argmin3A_55 : vector<1024xi32> to vector<1024x1xi32>
    %eq3A_57 = vector.broadcast %broadcast_in_dim3A_56 : vector<1024x1xi32> to vector<1024x1024xi32>
    %eq3A_58 = arith.cmpi eq, %iota3A, %eq3A_57 : vector<1024x1024xi32>
    %jit3A_59 = arith.constant 1.000000e+30 : f32
    %broadcast_in_dim3A_60 = vector.broadcast %jit3A_59 : f32 to vector<1024x1024xf32>
    %select_n3A_61 = arith.select %eq3A_58, %broadcast_in_dim3A_60, %select_n3A_54 : vector<1024x1024xi1>, vector<1024x1024xf32>
    %argmin3A_62 = tpu.reduce_index %select_n3A_61 {axis = 1 : i32, kind = #tpu.reduction_kind<arg_min>} : vector<1024x1024xf32> -> vector<1024xi32>
    %broadcast_in_dim3A_63 = vector.shape_cast %argmin3A_62 : vector<1024xi32> to vector<1024x1xi32>
    %eq3A_64 = vector.broadcast %broadcast_in_dim3A_63 : vector<1024x1xi32> to vector<1024x1024xi32>
    %eq3A_65 = arith.cmpi eq, %iota3A, %eq3A_64 : vector<1024x1024xi32>
    %jit3A_66 = arith.constant 1.000000e+30 : f32
    %broadcast_in_dim3A_67 = vector.broadcast %jit3A_66 : f32 to vector<1024x1024xf32>
    %select_n3A_68 = arith.select %eq3A_65, %broadcast_in_dim3A_67, %select_n3A_61 : vector<1024x1024xi1>, vector<1024x1024xf32>
    %argmin3A_69 = tpu.reduce_index %select_n3A_68 {axis = 1 : i32, kind = #tpu.reduction_kind<arg_min>} : vector<1024x1024xf32> -> vector<1024xi32>
    %broadcast_in_dim3A_70 = vector.shape_cast %argmin3A_69 : vector<1024xi32> to vector<1024x1xi32>
    %eq3A_71 = vector.broadcast %broadcast_in_dim3A_70 : vector<1024x1xi32> to vector<1024x1024xi32>
    %eq3A_72 = arith.cmpi eq, %iota3A, %eq3A_71 : vector<1024x1024xi32>
    %jit3A_73 = arith.constant 1.000000e+30 : f32
    %broadcast_in_dim3A_74 = vector.broadcast %jit3A_73 : f32 to vector<1024x1024xf32>
    %select_n3A_75 = arith.select %eq3A_72, %broadcast_in_dim3A_74, %select_n3A_68 : vector<1024x1024xi1>, vector<1024x1024xf32>
    %argmin3A_76 = tpu.reduce_index %select_n3A_75 {axis = 1 : i32, kind = #tpu.reduction_kind<arg_min>} : vector<1024x1024xf32> -> vector<1024xi32>
    %broadcast_in_dim3A_77 = vector.shape_cast %argmin3A_76 : vector<1024xi32> to vector<1024x1xi32>
    %eq3A_78 = vector.broadcast %broadcast_in_dim3A_77 : vector<1024x1xi32> to vector<1024x1024xi32>
    %eq3A_79 = arith.cmpi eq, %iota3A, %eq3A_78 : vector<1024x1024xi32>
    %jit3A_80 = arith.constant 1.000000e+30 : f32
    %broadcast_in_dim3A_81 = vector.broadcast %jit3A_80 : f32 to vector<1024x1024xf32>
    %select_n3A_82 = arith.select %eq3A_79, %broadcast_in_dim3A_81, %select_n3A_75 : vector<1024x1024xi1>, vector<1024x1024xf32>
    %argmin3A_83 = tpu.reduce_index %select_n3A_82 {axis = 1 : i32, kind = #tpu.reduction_kind<arg_min>} : vector<1024x1024xf32> -> vector<1024xi32>
    %broadcast_in_dim3A_84 = vector.shape_cast %argmin3A_83 : vector<1024xi32> to vector<1024x1xi32>
    %eq3A_85 = vector.broadcast %broadcast_in_dim3A_84 : vector<1024x1xi32> to vector<1024x1024xi32>
    %eq3A_86 = arith.cmpi eq, %iota3A, %eq3A_85 : vector<1024x1024xi32>
    %jit3A_87 = arith.constant 1.000000e+30 : f32
    %broadcast_in_dim3A_88 = vector.broadcast %jit3A_87 : f32 to vector<1024x1024xf32>
    %select_n3A_89 = arith.select %eq3A_86, %broadcast_in_dim3A_88, %select_n3A_82 : vector<1024x1024xi1>, vector<1024x1024xf32>
    %argmin3A_90 = tpu.reduce_index %select_n3A_89 {axis = 1 : i32, kind = #tpu.reduction_kind<arg_min>} : vector<1024x1024xf32> -> vector<1024xi32>
    %broadcast_in_dim3A_91 = vector.shape_cast %argmin3A_90 : vector<1024xi32> to vector<1024x1xi32>
    %eq3A_92 = vector.broadcast %broadcast_in_dim3A_91 : vector<1024x1xi32> to vector<1024x1024xi32>
    %eq3A_93 = arith.cmpi eq, %iota3A, %eq3A_92 : vector<1024x1024xi32>
    %jit3A_94 = arith.constant 1.000000e+30 : f32
    %broadcast_in_dim3A_95 = vector.broadcast %jit3A_94 : f32 to vector<1024x1024xf32>
    %select_n3A_96 = arith.select %eq3A_93, %broadcast_in_dim3A_95, %select_n3A_89 : vector<1024x1024xi1>, vector<1024x1024xf32>
    %argmin3A_97 = tpu.reduce_index %select_n3A_96 {axis = 1 : i32, kind = #tpu.reduction_kind<arg_min>} : vector<1024x1024xf32> -> vector<1024xi32>
    %broadcast_in_dim3A_98 = vector.shape_cast %argmin3A_97 : vector<1024xi32> to vector<1024x1xi32>
    %eq3A_99 = vector.broadcast %broadcast_in_dim3A_98 : vector<1024x1xi32> to vector<1024x1024xi32>
    %eq3A_100 = arith.cmpi eq, %iota3A, %eq3A_99 : vector<1024x1024xi32>
    %jit3A_101 = arith.constant 1.000000e+30 : f32
    %broadcast_in_dim3A_102 = vector.broadcast %jit3A_101 : f32 to vector<1024x1024xf32>
    %select_n3A_103 = arith.select %eq3A_100, %broadcast_in_dim3A_102, %select_n3A_96 : vector<1024x1024xi1>, vector<1024x1024xf32>
    %argmin3A_104 = tpu.reduce_index %select_n3A_103 {axis = 1 : i32, kind = #tpu.reduction_kind<arg_min>} : vector<1024x1024xf32> -> vector<1024xi32>
    %broadcast_in_dim3A_105 = vector.shape_cast %argmin3A_104 : vector<1024xi32> to vector<1024x1xi32>
    %eq3A_106 = vector.broadcast %broadcast_in_dim3A_105 : vector<1024x1xi32> to vector<1024x1024xi32>
    %eq3A_107 = arith.cmpi eq, %iota3A, %eq3A_106 : vector<1024x1024xi32>
    %jit3A_108 = arith.constant 1.000000e+30 : f32
    %broadcast_in_dim3A_109 = vector.broadcast %jit3A_108 : f32 to vector<1024x1024xf32>
    %select_n3A_110 = arith.select %eq3A_107, %broadcast_in_dim3A_109, %select_n3A_103 : vector<1024x1024xi1>, vector<1024x1024xf32>
    %argmin3A_111 = tpu.reduce_index %select_n3A_110 {axis = 1 : i32, kind = #tpu.reduction_kind<arg_min>} : vector<1024x1024xf32> -> vector<1024xi32>
    %broadcast_in_dim3A_112 = vector.shape_cast %argmin3A_111 : vector<1024xi32> to vector<1024x1xi32>
    %eq3A_113 = vector.broadcast %broadcast_in_dim3A_112 : vector<1024x1xi32> to vector<1024x1024xi32>
    %eq3A_114 = arith.cmpi eq, %iota3A, %eq3A_113 : vector<1024x1024xi32>
    %jit3A_115 = arith.constant 1.000000e+30 : f32
    %broadcast_in_dim3A_116 = vector.broadcast %jit3A_115 : f32 to vector<1024x1024xf32>
    %select_n3A_117 = arith.select %eq3A_114, %broadcast_in_dim3A_116, %select_n3A_110 : vector<1024x1024xi1>, vector<1024x1024xf32>
    %argmin3A_118 = tpu.reduce_index %select_n3A_117 {axis = 1 : i32, kind = #tpu.reduction_kind<arg_min>} : vector<1024x1024xf32> -> vector<1024xi32>
    %broadcast_in_dim3A_119 = vector.shape_cast %argmin3A_118 : vector<1024xi32> to vector<1024x1xi32>
    %eq3A_120 = vector.broadcast %broadcast_in_dim3A_119 : vector<1024x1xi32> to vector<1024x1024xi32>
    %eq3A_121 = arith.cmpi eq, %iota3A, %eq3A_120 : vector<1024x1024xi32>
    %jit3A_122 = arith.constant 1.000000e+30 : f32
    %broadcast_in_dim3A_123 = vector.broadcast %jit3A_122 : f32 to vector<1024x1024xf32>
    %select_n3A_124 = arith.select %eq3A_121, %broadcast_in_dim3A_123, %select_n3A_117 : vector<1024x1024xi1>, vector<1024x1024xf32>
    %argmin3A_125 = tpu.reduce_index %select_n3A_124 {axis = 1 : i32, kind = #tpu.reduction_kind<arg_min>} : vector<1024x1024xf32> -> vector<1024xi32>
    %broadcast_in_dim3A_126 = vector.shape_cast %argmin3A_125 : vector<1024xi32> to vector<1024x1xi32>
    %concatenate3A = tpu.concatenate %broadcast_in_dim3A, %broadcast_in_dim3A_28, %broadcast_in_dim3A_35, %broadcast_in_dim3A_42, %broadcast_in_dim3A_49, %broadcast_in_dim3A_56, %broadcast_in_dim3A_63, %broadcast_in_dim3A_70, %broadcast_in_dim3A_77, %broadcast_in_dim3A_84, %broadcast_in_dim3A_91, %broadcast_in_dim3A_98, %broadcast_in_dim3A_105, %broadcast_in_dim3A_112, %broadcast_in_dim3A_119, %broadcast_in_dim3A_126 in 1 : vector<1024x1xi32>, vector<1024x1xi32>, vector<1024x1xi32>, vector<1024x1xi32>, vector<1024x1xi32>, vector<1024x1xi32>, vector<1024x1xi32>, vector<1024x1xi32>, vector<1024x1xi32>, vector<1024x1xi32>, vector<1024x1xi32>, vector<1024x1xi32>, vector<1024x1xi32>, vector<1024x1xi32>, vector<1024x1xi32>, vector<1024x1xi32> -> vector<1024x16xi32>
    %swap3A = arith.constant 0 : index
    %swap3A_127 = arith.constant 0 : index
    %swap3A_128 = arith.constant 0 : index
    %swap3A_129 = vector.load %arg3[%swap3A, %swap3A_127, %swap3A_128] : memref<1x1024x16xi32, #tpu.memory_space<vmem>>, vector<1x1024x16xi32>
    %swap3A_130 = vector.shape_cast %swap3A_129 : vector<1x1024x16xi32> to vector<1024x16xi32>
    %swap3A_131 = vector.shape_cast %concatenate3A : vector<1024x16xi32> to vector<1x1024x16xi32>
    tpu.vector_store %arg3[%swap3A, %swap3A_127, %swap3A_128], %swap3A_131 {strides = array<i32>} : memref<1x1024x16xi32, #tpu.memory_space<vmem>>, vector<1x1024x16xi32>,
    return
  }
  func.func @transform_0(%arg0: i32) -> (i32, i32, i32) {
    %c0_i32 = arith.constant 0 : i32
    %c0_i32_0 = arith.constant 0 : i32
    %c0_i32_1 = arith.constant 0 : i32
    return %arg0, %c0_i32, %c0_i32_0 : i32, i32, i32
  }
  func.func @transform_1(%arg0: i32) -> (i32, i32, i32) {
    %c0_i32 = arith.constant 0 : i32
    %c0_i32_0 = arith.constant 0 : i32
    %c0_i32_1 = arith.constant 0 : i32
    return %arg0, %c0_i32, %c0_i32_0 : i32, i32, i32
  }
  func.func @transform_2(%arg0: i32) -> (i32, i32, i32) {
    %c0_i32 = arith.constant 0 : i32
    %c0_i32_0 = arith.constant 0 : i32
    %c0_i32_1 = arith.constant 0 : i32
    return %arg0, %c0_i32, %c0_i32_0 : i32, i32, i32
  }
}

module attributes {stable_mosaic.version = 14 : i64} {
  func.func @_featk(%arg0: memref<4096x64xf32, #tpu.memory_space<vmem>>, %arg1: memref<4096x8xf32, #tpu.memory_space<vmem>>, %arg2: memref<4x4096xf32, #tpu.memory_space<vmem>>, %arg3: memref<4096x4xf32, #tpu.memory_space<vmem>>, %arg4: memref<64x256xf32, #tpu.memory_space<vmem>>, %arg5: memref<1x256xf32, #tpu.memory_space<vmem>>, %arg6: memref<256x256xf32, #tpu.memory_space<vmem>>, %arg7: memref<1x256xf32, #tpu.memory_space<vmem>>, %arg8: memref<1x256xf32, #tpu.memory_space<vmem>>, %arg9: memref<1x256xf32, #tpu.memory_space<vmem>>, %arg10: memref<256x128xf32, #tpu.memory_space<vmem>>, %arg11: memref<1x128xf32, #tpu.memory_space<vmem>>, %arg12: memref<128x256xf32, #tpu.memory_space<vmem>>, %arg13: memref<1x256xf32, #tpu.memory_space<vmem>>, %arg14: memref<1x256xf32, #tpu.memory_space<vmem>>, %arg15: memref<1x256xf32, #tpu.memory_space<vmem>>, %arg16: memref<256x256xf32, #tpu.memory_space<vmem>>, %arg17: memref<256x256xf32, #tpu.memory_space<vmem>>, %arg18: memref<8x64xf32, #tpu.memory_space<vmem>>, %arg19: memref<4096x256xf32, #tpu.memory_space<vmem>>, %arg20: memref<4096x384xf32, #tpu.memory_space<vmem>>, %arg21: memref<4096x64xf32, #tpu.memory_space<vmem>>) attributes {dimension_semantics = [], scalar_prefetch = 0 : i64, scratch_operands = 0 : i64, tpu.core_type = #tpu.core_type<tc>} {
    %get3A = arith.constant 0 : index
    %get3A_0 = arith.constant 0 : index
    %get3A_1 = vector.load %arg0[%get3A, %get3A_0] : memref<4096x64xf32, #tpu.memory_space<vmem>>, vector<4096x64xf32>
    %get3A_2 = arith.constant 0 : index
    %get3A_3 = arith.constant 0 : index
    %get3A_4 = vector.load %arg4[%get3A_2, %get3A_3] : memref<64x256xf32, #tpu.memory_space<vmem>>, vector<64x256xf32>
    %dot_general3A = arith.constant dense<0.000000e+00> : vector<4096x256xf32>
    %dot_general3A_5 = tpu.matmul %get3A_1, %get3A_4, %dot_general3A {dimension_numbers = #tpu.dot_dimension_numbers<[1], [0], [0], [1], [0, 0, 1, 1], [], []>, transpose_lhs_hint = false} : vector<4096x64xf32>, vector<64x256xf32>, vector<4096x256xf32> -> vector<4096x256xf32>
    %get3A_6 = arith.constant 0 : index
    %get3A_7 = arith.constant 0 : index
    %get3A_8 = vector.load %arg5[%get3A_6, %get3A_7] : memref<1x256xf32, #tpu.memory_space<vmem>>, vector<1x256xf32>
    %add3A = vector.broadcast %get3A_8 : vector<1x256xf32> to vector<4096x256xf32>
    %add3A_9 = arith.addf %dot_general3A_5, %add3A : vector<4096x256xf32>
    %max3A = arith.constant 0.000000e+00 : f32
    %max3A_10 = vector.broadcast %max3A : f32 to vector<4096x256xf32>
    %max3A_11 = arith.maximumf %add3A_9, %max3A_10 : vector<4096x256xf32>
    %abs3A = math.absf %add3A_9 : vector<4096x256xf32>
    %neg3A = arith.constant 0.000000e+00 : f32
    %neg3A_12 = vector.broadcast %neg3A : f32 to vector<4096x256xf32>
    %neg3A_13 = arith.subf %neg3A_12, %abs3A : vector<4096x256xf32>
    %exp3A = math.exp %neg3A_13 : vector<4096x256xf32>
    %log1p3A = math.log1p %exp3A : vector<4096x256xf32>
    %add3A_14 = arith.addf %max3A_11, %log1p3A : vector<4096x256xf32>
    %tanh3A = math.tanh %add3A_14 : vector<4096x256xf32>
    %mul3A = arith.mulf %add3A_9, %tanh3A : vector<4096x256xf32>
    %get3A_15 = arith.constant 0 : index
    %get3A_16 = arith.constant 0 : index
    %get3A_17 = vector.load %arg6[%get3A_15, %get3A_16] : memref<256x256xf32, #tpu.memory_space<vmem>>, vector<256x256xf32>
    %dot_general3A_18 = arith.constant dense<0.000000e+00> : vector<4096x256xf32>
    %dot_general3A_19 = tpu.matmul %mul3A, %get3A_17, %dot_general3A_18 {dimension_numbers = #tpu.dot_dimension_numbers<[1], [0], [0], [1], [0, 0, 1, 1], [], []>, transpose_lhs_hint = false} : vector<4096x256xf32>, vector<256x256xf32>, vector<4096x256xf32> -> vector<4096x256xf32>
    %get3A_20 = arith.constant 0 : index
    %get3A_21 = arith.constant 0 : index
    %get3A_22 = vector.load %arg7[%get3A_20, %get3A_21] : memref<1x256xf32, #tpu.memory_space<vmem>>, vector<1x256xf32>
    %add3A_23 = vector.broadcast %get3A_22 : vector<1x256xf32> to vector<4096x256xf32>
    %add3A_24 = arith.addf %dot_general3A_19, %add3A_23 : vector<4096x256xf32>
    %get3A_25 = arith.constant 0 : index
    %get3A_26 = arith.constant 0 : index
    %get3A_27 = vector.load %arg8[%get3A_25, %get3A_26] : memref<1x256xf32, #tpu.memory_space<vmem>>, vector<1x256xf32>
    %get3A_28 = arith.constant 0 : index
    %get3A_29 = arith.constant 0 : index
    %get3A_30 = vector.load %arg9[%get3A_28, %get3A_29] : memref<1x256xf32, #tpu.memory_space<vmem>>, vector<1x256xf32>
    %reduce_sum3A = arith.constant dense<0.000000e+00> : vector<4096xf32>
    %reduce_sum3A_31 = vector.multi_reduction <add>, %add3A_24, %reduce_sum3A [1] : vector<4096x256xf32> to vector<4096xf32>
    %broadcast_in_dim3A = vector.shape_cast %reduce_sum3A_31 : vector<4096xf32> to vector<4096x1xf32>
    %div3A = arith.constant 2.560000e+02 : f32
    %div3A_32 = vector.broadcast %div3A : f32 to vector<4096x1xf32>
    %div3A_33 = arith.divf %broadcast_in_dim3A, %div3A_32 : vector<4096x1xf32>
    %sub3A = vector.broadcast %div3A_33 : vector<4096x1xf32> to vector<4096x256xf32>
    %sub3A_34 = arith.subf %add3A_24, %sub3A : vector<4096x256xf32>
    %integer_pow3A = arith.mulf %sub3A_34, %sub3A_34 : vector<4096x256xf32>
    %reduce_sum3A_35 = arith.constant dense<0.000000e+00> : vector<4096xf32>
    %reduce_sum3A_36 = vector.multi_reduction <add>, %integer_pow3A, %reduce_sum3A_35 [1] : vector<4096x256xf32> to vector<4096xf32>
    %broadcast_in_dim3A_37 = vector.shape_cast %reduce_sum3A_36 : vector<4096xf32> to vector<4096x1xf32>
    %div3A_38 = arith.constant 2.560000e+02 : f32
    %div3A_39 = vector.broadcast %div3A_38 : f32 to vector<4096x1xf32>
    %div3A_40 = arith.divf %broadcast_in_dim3A_37, %div3A_39 : vector<4096x1xf32>
    %sub3A_41 = vector.broadcast %div3A_33 : vector<4096x1xf32> to vector<4096x256xf32>
    %sub3A_42 = arith.subf %add3A_24, %sub3A_41 : vector<4096x256xf32>
    %add3A_43 = arith.constant 9.99999974E-6 : f32
    %add3A_44 = vector.broadcast %add3A_43 : f32 to vector<4096x1xf32>
    %add3A_45 = arith.addf %div3A_40, %add3A_44 : vector<4096x1xf32>
    %sqrt3A = math.sqrt %add3A_45 : vector<4096x1xf32>
    %div3A_46 = vector.broadcast %sqrt3A : vector<4096x1xf32> to vector<4096x256xf32>
    %div3A_47 = arith.divf %sub3A_42, %div3A_46 : vector<4096x256xf32>
    %mul3A_48 = vector.broadcast %get3A_27 : vector<1x256xf32> to vector<4096x256xf32>
    %mul3A_49 = arith.mulf %div3A_47, %mul3A_48 : vector<4096x256xf32>
    %add3A_50 = vector.broadcast %get3A_30 : vector<1x256xf32> to vector<4096x256xf32>
    %add3A_51 = arith.addf %mul3A_49, %add3A_50 : vector<4096x256xf32>
    %get3A_52 = arith.constant 0 : index
    %get3A_53 = arith.constant 0 : index
    %get3A_54 = vector.load %arg2[%get3A_52, %get3A_53] : memref<4x4096xf32, #tpu.memory_space<vmem>>, vector<4x4096xf32>
    %dot_general3A_55 = arith.constant dense<0.000000e+00> : vector<4x256xf32>
    %dot_general3A_56 = tpu.matmul %get3A_54, %add3A_51, %dot_general3A_55 {dimension_numbers = #tpu.dot_dimension_numbers<[1], [0], [0], [1], [0, 0, 1, 1], [], []>, transpose_lhs_hint = false} : vector<4x4096xf32>, vector<4096x256xf32>, vector<4x256xf32> -> vector<4x256xf32>
    %get3A_57 = arith.constant 0 : index
    %get3A_58 = arith.constant 0 : index
    %get3A_59 = vector.load %arg10[%get3A_57, %get3A_58] : memref<256x128xf32, #tpu.memory_space<vmem>>, vector<256x128xf32>
    %dot_general3A_60 = arith.constant dense<0.000000e+00> : vector<4x128xf32>
    %dot_general3A_61 = tpu.matmul %dot_general3A_56, %get3A_59, %dot_general3A_60 {dimension_numbers = #tpu.dot_dimension_numbers<[1], [0], [0], [1], [0, 0, 1, 1], [], []>, transpose_lhs_hint = false} : vector<4x256xf32>, vector<256x128xf32>, vector<4x128xf32> -> vector<4x128xf32>
    %get3A_62 = arith.constant 0 : index
    %get3A_63 = arith.constant 0 : index
    %get3A_64 = vector.load %arg11[%get3A_62, %get3A_63] : memref<1x128xf32, #tpu.memory_space<vmem>>, vector<1x128xf32>
    %add3A_65 = vector.broadcast %get3A_64 : vector<1x128xf32> to vector<4x128xf32>
    %add3A_66 = arith.addf %dot_general3A_61, %add3A_65 : vector<4x128xf32>
    %max3A_67 = arith.constant 0.000000e+00 : f32
    %max3A_68 = vector.broadcast %max3A_67 : f32 to vector<4x128xf32>
    %max3A_69 = arith.maximumf %add3A_66, %max3A_68 : vector<4x128xf32>
    %get3A_70 = arith.constant 0 : index
    %get3A_71 = arith.constant 0 : index
    %get3A_72 = vector.load %arg12[%get3A_70, %get3A_71] : memref<128x256xf32, #tpu.memory_space<vmem>>, vector<128x256xf32>
    %dot_general3A_73 = arith.constant dense<0.000000e+00> : vector<4x256xf32>
    %dot_general3A_74 = tpu.matmul %max3A_69, %get3A_72, %dot_general3A_73 {dimension_numbers = #tpu.dot_dimension_numbers<[1], [0], [0], [1], [0, 0, 1, 1], [], []>, transpose_lhs_hint = false} : vector<4x128xf32>, vector<128x256xf32>, vector<4x256xf32> -> vector<4x256xf32>
    %get3A_75 = arith.constant 0 : index
    %get3A_76 = arith.constant 0 : index
    %get3A_77 = vector.load %arg13[%get3A_75, %get3A_76] : memref<1x256xf32, #tpu.memory_space<vmem>>, vector<1x256xf32>
    %add3A_78 = vector.broadcast %get3A_77 : vector<1x256xf32> to vector<4x256xf32>
    %add3A_79 = arith.addf %dot_general3A_74, %add3A_78 : vector<4x256xf32>
    %logistic3A = arith.negf %add3A_79 : vector<4x256xf32>
    %logistic3A_80 = math.exp %logistic3A : vector<4x256xf32>
    %logistic3A_81 = arith.constant 1.000000e+00 : f32
    %logistic3A_82 = vector.broadcast %logistic3A_81 : f32 to vector<4x256xf32>
    %logistic3A_83 = arith.addf %logistic3A_82, %logistic3A_80 : vector<4x256xf32>
    %logistic3A_84 = arith.divf %logistic3A_82, %logistic3A_83 : vector<4x256xf32>
    %get3A_85 = arith.constant 0 : index
    %get3A_86 = arith.constant 0 : index
    %get3A_87 = vector.load %arg3[%get3A_85, %get3A_86] : memref<4096x4xf32, #tpu.memory_space<vmem>>, vector<4096x4xf32>
    %dot_general3A_88 = arith.constant dense<0.000000e+00> : vector<4096x256xf32>
    %dot_general3A_89 = tpu.matmul %get3A_87, %logistic3A_84, %dot_general3A_88 {dimension_numbers = #tpu.dot_dimension_numbers<[1], [0], [0], [1], [0, 0, 1, 1], [], []>, transpose_lhs_hint = false} : vector<4096x4xf32>, vector<4x256xf32>, vector<4096x256xf32> -> vector<4096x256xf32>
    %mul3A_90 = arith.mulf %add3A_51, %dot_general3A_89 : vector<4096x256xf32>
    %add3A_91 = arith.addf %add3A_51, %mul3A_90 : vector<4096x256xf32>
    %get3A_92 = arith.constant 0 : index
    %get3A_93 = arith.constant 0 : index
    %get3A_94 = vector.load %arg14[%get3A_92, %get3A_93] : memref<1x256xf32, #tpu.memory_space<vmem>>, vector<1x256xf32>
    %get3A_95 = arith.constant 0 : index
    %get3A_96 = arith.constant 0 : index
    %get3A_97 = vector.load %arg15[%get3A_95, %get3A_96] : memref<1x256xf32, #tpu.memory_space<vmem>>, vector<1x256xf32>
    %reduce_sum3A_98 = arith.constant dense<0.000000e+00> : vector<4096xf32>
    %reduce_sum3A_99 = vector.multi_reduction <add>, %add3A_91, %reduce_sum3A_98 [1] : vector<4096x256xf32> to vector<4096xf32>
    %broadcast_in_dim3A_100 = vector.shape_cast %reduce_sum3A_99 : vector<4096xf32> to vector<4096x1xf32>
    %div3A_101 = arith.constant 2.560000e+02 : f32
    %div3A_102 = vector.broadcast %div3A_101 : f32 to vector<4096x1xf32>
    %div3A_103 = arith.divf %broadcast_in_dim3A_100, %div3A_102 : vector<4096x1xf32>
    %sub3A_104 = vector.broadcast %div3A_103 : vector<4096x1xf32> to vector<4096x256xf32>
    %sub3A_105 = arith.subf %add3A_91, %sub3A_104 : vector<4096x256xf32>
    %integer_pow3A_106 = arith.mulf %sub3A_105, %sub3A_105 : vector<4096x256xf32>
    %reduce_sum3A_107 = arith.constant dense<0.000000e+00> : vector<4096xf32>
    %reduce_sum3A_108 = vector.multi_reduction <add>, %integer_pow3A_106, %reduce_sum3A_107 [1] : vector<4096x256xf32> to vector<4096xf32>
    %broadcast_in_dim3A_109 = vector.shape_cast %reduce_sum3A_108 : vector<4096xf32> to vector<4096x1xf32>
    %div3A_110 = arith.constant 2.560000e+02 : f32
    %div3A_111 = vector.broadcast %div3A_110 : f32 to vector<4096x1xf32>
    %div3A_112 = arith.divf %broadcast_in_dim3A_109, %div3A_111 : vector<4096x1xf32>
    %sub3A_113 = vector.broadcast %div3A_103 : vector<4096x1xf32> to vector<4096x256xf32>
    %sub3A_114 = arith.subf %add3A_91, %sub3A_113 : vector<4096x256xf32>
    %add3A_115 = arith.constant 9.99999974E-6 : f32
    %add3A_116 = vector.broadcast %add3A_115 : f32 to vector<4096x1xf32>
    %add3A_117 = arith.addf %div3A_112, %add3A_116 : vector<4096x1xf32>
    %sqrt3A_118 = math.sqrt %add3A_117 : vector<4096x1xf32>
    %div3A_119 = vector.broadcast %sqrt3A_118 : vector<4096x1xf32> to vector<4096x256xf32>
    %div3A_120 = arith.divf %sub3A_114, %div3A_119 : vector<4096x256xf32>
    %mul3A_121 = vector.broadcast %get3A_94 : vector<1x256xf32> to vector<4096x256xf32>
    %mul3A_122 = arith.mulf %div3A_120, %mul3A_121 : vector<4096x256xf32>
    %add3A_123 = vector.broadcast %get3A_97 : vector<1x256xf32> to vector<4096x256xf32>
    %add3A_124 = arith.addf %mul3A_122, %add3A_123 : vector<4096x256xf32>
    %get3A_125 = arith.constant 0 : index
    %get3A_126 = arith.constant 0 : index
    %get3A_127 = vector.load %arg16[%get3A_125, %get3A_126] : memref<256x256xf32, #tpu.memory_space<vmem>>, vector<256x256xf32>
    %dot_general3A_128 = arith.constant dense<0.000000e+00> : vector<4096x256xf32>
    %dot_general3A_129 = tpu.matmul %add3A_124, %get3A_127, %dot_general3A_128 {dimension_numbers = #tpu.dot_dimension_numbers<[1], [0], [0], [1], [0, 0, 1, 1], [], []>, transpose_lhs_hint = false} : vector<4096x256xf32>, vector<256x256xf32>, vector<4096x256xf32> -> vector<4096x256xf32>
    %get3A_130 = arith.constant 0 : index
    %get3A_131 = arith.constant 0 : index
    %get3A_132 = vector.load %arg17[%get3A_130, %get3A_131] : memref<256x256xf32, #tpu.memory_space<vmem>>, vector<256x256xf32>
    %dot_general3A_133 = arith.constant dense<0.000000e+00> : vector<4096x256xf32>
    %dot_general3A_134 = tpu.matmul %add3A_124, %get3A_132, %dot_general3A_133 {dimension_numbers = #tpu.dot_dimension_numbers<[1], [0], [0], [1], [0, 0, 1, 1], [], []>, transpose_lhs_hint = false} : vector<4096x256xf32>, vector<256x256xf32>, vector<4096x256xf32> -> vector<4096x256xf32>
    %get3A_135 = arith.constant 0 : index
    %get3A_136 = arith.constant 0 : index
    %get3A_137 = vector.load %arg1[%get3A_135, %get3A_136] : memref<4096x8xf32, #tpu.memory_space<vmem>>, vector<4096x8xf32>
    %get3A_138 = arith.constant 0 : index
    %get3A_139 = arith.constant 0 : index
    %get3A_140 = vector.load %arg18[%get3A_138, %get3A_139] : memref<8x64xf32, #tpu.memory_space<vmem>>, vector<8x64xf32>
    %dot_general3A_141 = arith.constant dense<0.000000e+00> : vector<4096x64xf32>
    %dot_general3A_142 = tpu.matmul %get3A_137, %get3A_140, %dot_general3A_141 {dimension_numbers = #tpu.dot_dimension_numbers<[1], [0], [0], [1], [0, 0, 1, 1], [], []>, transpose_lhs_hint = false} : vector<4096x8xf32>, vector<8x64xf32>, vector<4096x64xf32> -> vector<4096x64xf32>
    %swap3A = arith.constant 0 : index
    %swap3A_143 = arith.constant 0 : index
    %swap3A_144 = vector.load %arg19[%swap3A, %swap3A_143] : memref<4096x256xf32, #tpu.memory_space<vmem>>, vector<4096x256xf32>
    tpu.vector_store %arg19[%swap3A, %swap3A_143], %add3A_124 {strides = array<i32>} : memref<4096x256xf32, #tpu.memory_space<vmem>>, vector<4096x256xf32>,
    %swap3A_145 = arith.constant 0 : index
    %swap3A_146 = arith.constant 0 : index
    %swap3A_147 = vector.load %arg21[%swap3A_145, %swap3A_146] : memref<4096x64xf32, #tpu.memory_space<vmem>>, vector<4096x64xf32>
    tpu.vector_store %arg21[%swap3A_145, %swap3A_146], %dot_general3A_142 {strides = array<i32>} : memref<4096x64xf32, #tpu.memory_space<vmem>>, vector<4096x64xf32>,
    %bitcast_convert_type3A = tpu.bitcast %dot_general3A_129 : vector<4096x256xf32> -> vector<4096x256xi32>
    %bitcast_convert_type3A_148 = tpu.bitcast %dot_general3A_134 : vector<4096x256xf32> -> vector<4096x256xi32>
    %and3A = arith.constant -65536 : i32
    %and3A_149 = vector.broadcast %and3A : i32 to vector<4096x256xi32>
    %and3A_150 = arith.andi %bitcast_convert_type3A, %and3A_149 : vector<4096x256xi32>
    %shift_right_logical3A = arith.constant 16 : i32
    %shift_right_logical3A_151 = vector.broadcast %shift_right_logical3A : i32 to vector<4096x256xi32>
    %shift_right_logical3A_152 = arith.shrui %bitcast_convert_type3A_148, %shift_right_logical3A_151 : vector<4096x256xi32>
    %or3A = arith.ori %and3A_150, %shift_right_logical3A_152 : vector<4096x256xi32>
    %bitcast_convert_type3A_153 = tpu.bitcast %or3A : vector<4096x256xi32> -> vector<4096x256xf32>
    %broadcast_in_dim3A_154 = arith.constant 0.000000e+00 : f32
    %broadcast_in_dim3A_155 = vector.broadcast %broadcast_in_dim3A_154 : f32 to vector<4096x64xf32>
    %concatenate3A = tpu.concatenate %bitcast_convert_type3A_153, %dot_general3A_142, %broadcast_in_dim3A_155 in 1 : vector<4096x256xf32>, vector<4096x64xf32>, vector<4096x64xf32> -> vector<4096x384xf32>
    %swap3A_156 = arith.constant 0 : index
    %swap3A_157 = arith.constant 0 : index
    %swap3A_158 = vector.load %arg20[%swap3A_156, %swap3A_157] : memref<4096x384xf32, #tpu.memory_space<vmem>>, vector<4096x384xf32>
    tpu.vector_store %arg20[%swap3A_156, %swap3A_157], %concatenate3A {strides = array<i32>} : memref<4096x384xf32, #tpu.memory_space<vmem>>, vector<4096x384xf32>,
    return
  }
}

module attributes {stable_mosaic.version = 14 : i64} {
  func.func @_attn(%arg0: i32, %arg1: memref<128x16x384xf32, #tpu.memory_space<vmem>>, %arg2: memref<128x256xf32, #tpu.memory_space<vmem>>, %arg3: memref<128x64xf32, #tpu.memory_space<vmem>>, %arg4: memref<256x4xf32, #tpu.memory_space<vmem>>, %arg5: memref<4x256xf32, #tpu.memory_space<vmem>>, %arg6: memref<128x256xf32, #tpu.memory_space<vmem>>, %arg7: memref<128x256xf32, #tpu.memory_space<vmem>>, %arg8: memref<1x256xf32, #tpu.memory_space<vmem>>, %arg9: memref<1x256xf32, #tpu.memory_space<vmem>>, %arg10: memref<256x256xf32, #tpu.memory_space<vmem>>, %arg11: memref<1x256xf32, #tpu.memory_space<vmem>>, %arg12: memref<256x256xf32, #tpu.memory_space<vmem>>, %arg13: memref<1x256xf32, #tpu.memory_space<vmem>>, %arg14: memref<1x256xf32, #tpu.memory_space<vmem>>, %arg15: memref<1x256xf32, #tpu.memory_space<vmem>>, %arg16: memref<256x1024xf32, #tpu.memory_space<vmem>>, %arg17: memref<1x1024xf32, #tpu.memory_space<vmem>>, %arg18: memref<1024x256xf32, #tpu.memory_space<vmem>>, %arg19: memref<1x256xf32, #tpu.memory_space<vmem>>, %arg20: memref<1x256xf32, #tpu.memory_space<vmem>>, %arg21: memref<1x256xf32, #tpu.memory_space<vmem>>, %arg22: memref<128x256xf32, #tpu.memory_space<vmem>>) attributes {dimension_semantics = [#tpu.dimension_semantics<arbitrary>], iteration_bounds = array<i64: 8>, scalar_prefetch = 0 : i64, scratch_operands = 0 : i64, tpu.core_type = #tpu.core_type<tc>, window_params = [{transform_indices = @transform_0, window_bounds = array<i64: 128, 16, 384>}, {transform_indices = @transform_1, window_bounds = array<i64: 128, 256>}, {transform_indices = @transform_2, window_bounds = array<i64: 128, 64>}, {pipeline_mode = #tpu.pipeline_mode<synchronous>, transform_indices = @transform_3, window_bounds = array<i64: 256, 4>}, {pipeline_mode = #tpu.pipeline_mode<synchronous>, transform_indices = @transform_4, window_bounds = array<i64: 4, 256>}, {pipeline_mode = #tpu.pipeline_mode<synchronous>, transform_indices = @transform_5, window_bounds = array<i64: 128, 256>}, {pipeline_mode = #tpu.pipeline_mode<synchronous>, transform_indices = @transform_6, window_bounds = array<i64: 128, 256>}, {pipeline_mode = #tpu.pipeline_mode<synchronous>, transform_indices = @transform_7, window_bounds = array<i64: 1, 256>}, {pipeline_mode = #tpu.pipeline_mode<synchronous>, transform_indices = @transform_8, window_bounds = array<i64: 1, 256>}, {pipeline_mode = #tpu.pipeline_mode<synchronous>, transform_indices = @transform_9, window_bounds = array<i64: 256, 256>}, {pipeline_mode = #tpu.pipeline_mode<synchronous>, transform_indices = @transform_10, window_bounds = array<i64: 1, 256>}, {pipeline_mode = #tpu.pipeline_mode<synchronous>, transform_indices = @transform_11, window_bounds = array<i64: 256, 256>}, {pipeline_mode = #tpu.pipeline_mode<synchronous>, transform_indices = @transform_12, window_bounds = array<i64: 1, 256>}, {pipeline_mode = #tpu.pipeline_mode<synchronous>, transform_indices = @transform_13, window_bounds = array<i64: 1, 256>}, {pipeline_mode = #tpu.pipeline_mode<synchronous>, transform_indices = @transform_14, window_bounds = array<i64: 1, 256>}, {pipeline_mode = #tpu.pipeline_mode<synchronous>, transform_indices = @transform_15, window_bounds = array<i64: 256, 1024>}, {pipeline_mode = #tpu.pipeline_mode<synchronous>, transform_indices = @transform_16, window_bounds = array<i64: 1, 1024>}, {pipeline_mode = #tpu.pipeline_mode<synchronous>, transform_indices = @transform_17, window_bounds = array<i64: 1024, 256>}, {pipeline_mode = #tpu.pipeline_mode<synchronous>, transform_indices = @transform_18, window_bounds = array<i64: 1, 256>}, {pipeline_mode = #tpu.pipeline_mode<synchronous>, transform_indices = @transform_19, window_bounds = array<i64: 1, 256>}, {pipeline_mode = #tpu.pipeline_mode<synchronous>, transform_indices = @transform_20, window_bounds = array<i64: 1, 256>}, {transform_indices = @transform_21, window_bounds = array<i64: 128, 256>}]} {
    %get3A = arith.constant 0 : index
    %get3A_0 = arith.constant 0 : index
    %get3A_1 = arith.constant 0 : index
    %get3A_2 = vector.load %arg1[%get3A, %get3A_0, %get3A_1] : memref<128x16x384xf32, #tpu.memory_space<vmem>>, vector<128x16x384xf32>
    %slice3A = vector.extract_strided_slice %get3A_2 {offsets = [0, 0, 0], sizes = [128, 16, 256], strides = [1, 1, 1]} : vector<128x16x384xf32> to vector<128x16x256xf32>
    %reshape3A = vector.shape_cast %slice3A : vector<128x16x256xf32> to vector<2048x256xf32>
    %bitcast_convert_type3A = tpu.bitcast %reshape3A : vector<2048x256xf32> -> vector<2048x256xi32>
    %and3A = arith.constant -65536 : i32
    %and3A_3 = vector.broadcast %and3A : i32 to vector<2048x256xi32>
    %and3A_4 = arith.andi %bitcast_convert_type3A, %and3A_3 : vector<2048x256xi32>
    %bitcast_convert_type3A_5 = tpu.bitcast %and3A_4 : vector<2048x256xi32> -> vector<2048x256xf32>
    %shift_left3A = arith.constant 16 : i32
    %shift_left3A_6 = vector.broadcast %shift_left3A : i32 to vector<2048x256xi32>
    %shift_left3A_7 = arith.shli %bitcast_convert_type3A, %shift_left3A_6 : vector<2048x256xi32>
    %bitcast_convert_type3A_8 = tpu.bitcast %shift_left3A_7 : vector<2048x256xi32> -> vector<2048x256xf32>
    %slice3A_9 = vector.extract_strided_slice %get3A_2 {offsets = [0, 0, 256], sizes = [128, 16, 64], strides = [1, 1, 1]} : vector<128x16x384xf32> to vector<128x16x64xf32>
    %get3A_10 = arith.constant 0 : index
    %get3A_11 = arith.constant 0 : index
    %get3A_12 = vector.load %arg3[%get3A_10, %get3A_11] : memref<128x64xf32, #tpu.memory_space<vmem>>, vector<128x64xf32>
    %broadcast_in_dim3A = vector.shape_cast %get3A_12 : vector<128x64xf32> to vector<128x1x64xf32>
    %sub3A = vector.broadcast %broadcast_in_dim3A : vector<128x1x64xf32> to vector<128x16x64xf32>
    %sub3A_13 = arith.subf %slice3A_9, %sub3A : vector<128x16x64xf32>
    %mul3A = arith.constant 6.28318548 : f32
    %mul3A_14 = vector.broadcast %mul3A : f32 to vector<128x16x64xf32>
    %mul3A_15 = arith.mulf %mul3A_14, %sub3A_13 : vector<128x16x64xf32>
    %cos3A = math.cos %mul3A_15 : vector<128x16x64xf32>
    %sin3A = math.sin %mul3A_15 : vector<128x16x64xf32>
    %concatenate3A = tpu.concatenate %cos3A, %sin3A in 2 : vector<128x16x64xf32>, vector<128x16x64xf32> -> vector<128x16x128xf32>
    %sqrt3A = arith.constant 1.280000e+02 : f32
    %sqrt3A_16 = math.sqrt %sqrt3A : f32
    %div3A = vector.broadcast %sqrt3A_16 : f32 to vector<128x16x128xf32>
    %div3A_17 = arith.divf %concatenate3A, %div3A : vector<128x16x128xf32>
    %reshape3A_18 = vector.shape_cast %div3A_17 : vector<128x16x128xf32> to vector<2048x128xf32>
    %get3A_19 = arith.constant 0 : index
    %get3A_20 = arith.constant 0 : index
    %get3A_21 = vector.load %arg6[%get3A_19, %get3A_20] : memref<128x256xf32, #tpu.memory_space<vmem>>, vector<128x256xf32>
    %convert_element_type3A = arith.truncf %reshape3A_18 : vector<2048x128xf32> to vector<2048x128xbf16>
    %convert_element_type3A_22 = arith.truncf %get3A_21 : vector<128x256xf32> to vector<128x256xbf16>
    %dot_general3A = arith.constant dense<0.000000e+00> : vector<2048x256xf32>
    %dot_general3A_23 = tpu.matmul %convert_element_type3A, %convert_element_type3A_22, %dot_general3A {dimension_numbers = #tpu.dot_dimension_numbers<[1], [0], [0], [1], [0, 0, 1, 1], [], []>, transpose_lhs_hint = false} : vector<2048x128xbf16>, vector<128x256xbf16>, vector<2048x256xf32> -> vector<2048x256xf32>
    %add3A = arith.addf %bitcast_convert_type3A_5, %dot_general3A_23 : vector<2048x256xf32>
    %get3A_24 = arith.constant 0 : index
    %get3A_25 = arith.constant 0 : index
    %get3A_26 = vector.load %arg8[%get3A_24, %get3A_25] : memref<1x256xf32, #tpu.memory_space<vmem>>, vector<1x256xf32>
    %add3A_27 = vector.broadcast %get3A_26 : vector<1x256xf32> to vector<2048x256xf32>
    %add3A_28 = arith.addf %add3A, %add3A_27 : vector<2048x256xf32>
    %reshape3A_29 = vector.shape_cast %add3A_28 : vector<2048x256xf32> to vector<128x16x256xf32>
    %get3A_30 = arith.constant 0 : index
    %get3A_31 = arith.constant 0 : index
    %get3A_32 = vector.load %arg7[%get3A_30, %get3A_31] : memref<128x256xf32, #tpu.memory_space<vmem>>, vector<128x256xf32>
    %convert_element_type3A_33 = arith.truncf %reshape3A_18 : vector<2048x128xf32> to vector<2048x128xbf16>
    %convert_element_type3A_34 = arith.truncf %get3A_32 : vector<128x256xf32> to vector<128x256xbf16>
    %dot_general3A_35 = arith.constant dense<0.000000e+00> : vector<2048x256xf32>
    %dot_general3A_36 = tpu.matmul %convert_element_type3A_33, %convert_element_type3A_34, %dot_general3A_35 {dimension_numbers = #tpu.dot_dimension_numbers<[1], [0], [0], [1], [0, 0, 1, 1], [], []>, transpose_lhs_hint = false} : vector<2048x128xbf16>, vector<128x256xbf16>, vector<2048x256xf32> -> vector<2048x256xf32>
    %add3A_37 = arith.addf %bitcast_convert_type3A_8, %dot_general3A_36 : vector<2048x256xf32>
    %get3A_38 = arith.constant 0 : index
    %get3A_39 = arith.constant 0 : index
    %get3A_40 = vector.load %arg9[%get3A_38, %get3A_39] : memref<1x256xf32, #tpu.memory_space<vmem>>, vector<1x256xf32>
    %add3A_41 = vector.broadcast %get3A_40 : vector<1x256xf32> to vector<2048x256xf32>
    %add3A_42 = arith.addf %add3A_37, %add3A_41 : vector<2048x256xf32>
    %reshape3A_43 = vector.shape_cast %add3A_42 : vector<2048x256xf32> to vector<128x16x256xf32>
    %get3A_44 = arith.constant 0 : index
    %get3A_45 = arith.constant 0 : index
    %get3A_46 = vector.load %arg2[%get3A_44, %get3A_45] : memref<128x256xf32, #tpu.memory_space<vmem>>, vector<128x256xf32>
    %sqrt3A_47 = arith.constant 6.400000e+01 : f32
    %sqrt3A_48 = math.sqrt %sqrt3A_47 : f32
    %div3A_49 = arith.constant 1.000000e+00 : f32
    %div3A_50 = arith.divf %div3A_49, %sqrt3A_48 : f32
    %get3A_51 = arith.constant 0 : index
    %get3A_52 = arith.constant 0 : index
    %get3A_53 = vector.load %arg10[%get3A_51, %get3A_52] : memref<256x256xf32, #tpu.memory_space<vmem>>, vector<256x256xf32>
    %convert_element_type3A_54 = arith.truncf %get3A_46 : vector<128x256xf32> to vector<128x256xbf16>
    %convert_element_type3A_55 = arith.truncf %get3A_53 : vector<256x256xf32> to vector<256x256xbf16>
    %dot_general3A_56 = arith.constant dense<0.000000e+00> : vector<128x256xf32>
    %dot_general3A_57 = tpu.matmul %convert_element_type3A_54, %convert_element_type3A_55, %dot_general3A_56 {dimension_numbers = #tpu.dot_dimension_numbers<[1], [0], [0], [1], [0, 0, 1, 1], [], []>, transpose_lhs_hint = false} : vector<128x256xbf16>, vector<256x256xbf16>, vector<128x256xf32> -> vector<128x256xf32>
    %get3A_58 = arith.constant 0 : index
    %get3A_59 = arith.constant 0 : index
    %get3A_60 = vector.load %arg11[%get3A_58, %get3A_59] : memref<1x256xf32, #tpu.memory_space<vmem>>, vector<1x256xf32>
    %add3A_61 = vector.broadcast %get3A_60 : vector<1x256xf32> to vector<128x256xf32>
    %add3A_62 = arith.addf %dot_general3A_57, %add3A_61 : vector<128x256xf32>
    %broadcast_in_dim3A_63 = vector.shape_cast %add3A_62 : vector<128x256xf32> to vector<128x1x256xf32>
    %mul3A_64 = vector.broadcast %broadcast_in_dim3A_63 : vector<128x1x256xf32> to vector<128x16x256xf32>
    %mul3A_65 = arith.mulf %reshape3A_29, %mul3A_64 : vector<128x16x256xf32>
    %reshape3A_66 = vector.shape_cast %mul3A_65 : vector<128x16x256xf32> to vector<2048x256xf32>
    %get3A_67 = arith.constant 0 : index
    %get3A_68 = arith.constant 0 : index
    %get3A_69 = vector.load %arg4[%get3A_67, %get3A_68] : memref<256x4xf32, #tpu.memory_space<vmem>>, vector<256x4xf32>
    %dot_general3A_70 = arith.constant dense<0.000000e+00> : vector<2048x4xf32>
    %dot_general3A_71 = tpu.matmul %reshape3A_66, %get3A_69, %dot_general3A_70 {dimension_numbers = #tpu.dot_dimension_numbers<[1], [0], [0], [1], [0, 0, 1, 1], [], []>, transpose_lhs_hint = false} : vector<2048x256xf32>, vector<256x4xf32>, vector<2048x4xf32> -> vector<2048x4xf32>
    %reshape3A_72 = vector.shape_cast %dot_general3A_71 : vector<2048x4xf32> to vector<128x16x4xf32>
    %mul3A_73 = vector.broadcast %div3A_50 : f32 to vector<128x16x4xf32>
    %mul3A_74 = arith.mulf %reshape3A_72, %mul3A_73 : vector<128x16x4xf32>
    %reduce_max3A = arith.constant dense<0xFF800000> : vector<128x4xf32>
    %reduce_max3A_75 = vector.multi_reduction <maximumf>, %mul3A_74, %reduce_max3A [1] : vector<128x16x4xf32> to vector<128x4xf32>
    %broadcast_in_dim3A_76 = vector.shape_cast %reduce_max3A_75 : vector<128x4xf32> to vector<128x1x4xf32>
    %sub3A_77 = vector.broadcast %broadcast_in_dim3A_76 : vector<128x1x4xf32> to vector<128x16x4xf32>
    %sub3A_78 = arith.subf %mul3A_74, %sub3A_77 : vector<128x16x4xf32>
    %exp3A = math.exp %sub3A_78 : vector<128x16x4xf32>
    %reduce_sum3A = arith.constant dense<0.000000e+00> : vector<128x4xf32>
    %reduce_sum3A_79 = vector.multi_reduction <add>, %exp3A, %reduce_sum3A [1] : vector<128x16x4xf32> to vector<128x4xf32>
    %broadcast_in_dim3A_80 = vector.shape_cast %reduce_sum3A_79 : vector<128x4xf32> to vector<128x1x4xf32>
    %div3A_81 = vector.broadcast %broadcast_in_dim3A_80 : vector<128x1x4xf32> to vector<128x16x4xf32>
    %div3A_82 = arith.divf %exp3A, %div3A_81 : vector<128x16x4xf32>
    %reshape3A_83 = vector.shape_cast %div3A_82 : vector<128x16x4xf32> to vector<2048x4xf32>
    %get3A_84 = arith.constant 0 : index
    %get3A_85 = arith.constant 0 : index
    %get3A_86 = vector.load %arg5[%get3A_84, %get3A_85] : memref<4x256xf32, #tpu.memory_space<vmem>>, vector<4x256xf32>
    %dot_general3A_87 = arith.constant dense<0.000000e+00> : vector<2048x256xf32>
    %dot_general3A_88 = tpu.matmul %reshape3A_83, %get3A_86, %dot_general3A_87 {dimension_numbers = #tpu.dot_dimension_numbers<[1], [0], [0], [1], [0, 0, 1, 1], [], []>, transpose_lhs_hint = false} : vector<2048x4xf32>, vector<4x256xf32>, vector<2048x256xf32> -> vector<2048x256xf32>
    %reshape3A_89 = vector.shape_cast %dot_general3A_88 : vector<2048x256xf32> to vector<128x16x256xf32>
    %mul3A_90 = arith.mulf %reshape3A_89, %reshape3A_43 : vector<128x16x256xf32>
    %reduce_sum3A_91 = arith.constant dense<0.000000e+00> : vector<128x256xf32>
    %reduce_sum3A_92 = vector.multi_reduction <add>, %mul3A_90, %reduce_sum3A_91 [1] : vector<128x16x256xf32> to vector<128x256xf32>
    %get3A_93 = arith.constant 0 : index
    %get3A_94 = arith.constant 0 : index
    %get3A_95 = vector.load %arg12[%get3A_93, %get3A_94] : memref<256x256xf32, #tpu.memory_space<vmem>>, vector<256x256xf32>
    %convert_element_type3A_96 = arith.truncf %reduce_sum3A_92 : vector<128x256xf32> to vector<128x256xbf16>
    %convert_element_type3A_97 = arith.truncf %get3A_95 : vector<256x256xf32> to vector<256x256xbf16>
    %dot_general3A_98 = arith.constant dense<0.000000e+00> : vector<128x256xf32>
    %dot_general3A_99 = tpu.matmul %convert_element_type3A_96, %convert_element_type3A_97, %dot_general3A_98 {dimension_numbers = #tpu.dot_dimension_numbers<[1], [0], [0], [1], [0, 0, 1, 1], [], []>, transpose_lhs_hint = false} : vector<128x256xbf16>, vector<256x256xbf16>, vector<128x256xf32> -> vector<128x256xf32>
    %get3A_100 = arith.constant 0 : index
    %get3A_101 = arith.constant 0 : index
    %get3A_102 = vector.load %arg13[%get3A_100, %get3A_101] : memref<1x256xf32, #tpu.memory_space<vmem>>, vector<1x256xf32>
    %add3A_103 = vector.broadcast %get3A_102 : vector<1x256xf32> to vector<128x256xf32>
    %add3A_104 = arith.addf %dot_general3A_99, %add3A_103 : vector<128x256xf32>
    %add3A_105 = arith.addf %get3A_46, %add3A_104 : vector<128x256xf32>
    %get3A_106 = arith.constant 0 : index
    %get3A_107 = arith.constant 0 : index
    %get3A_108 = vector.load %arg14[%get3A_106, %get3A_107] : memref<1x256xf32, #tpu.memory_space<vmem>>, vector<1x256xf32>
    %get3A_109 = arith.constant 0 : index
    %get3A_110 = arith.constant 0 : index
    %get3A_111 = vector.load %arg15[%get3A_109, %get3A_110] : memref<1x256xf32, #tpu.memory_space<vmem>>, vector<1x256xf32>
    %reduce_sum3A_112 = arith.constant dense<0.000000e+00> : vector<128xf32>
    %reduce_sum3A_113 = vector.multi_reduction <add>, %add3A_105, %reduce_sum3A_112 [1] : vector<128x256xf32> to vector<128xf32>
    %broadcast_in_dim3A_114 = vector.shape_cast %reduce_sum3A_113 : vector<128xf32> to vector<128x1xf32>
    %div3A_115 = arith.constant 2.560000e+02 : f32
    %div3A_116 = vector.broadcast %div3A_115 : f32 to vector<128x1xf32>
    %div3A_117 = arith.divf %broadcast_in_dim3A_114, %div3A_116 : vector<128x1xf32>
    %sub3A_118 = vector.broadcast %div3A_117 : vector<128x1xf32> to vector<128x256xf32>
    %sub3A_119 = arith.subf %add3A_105, %sub3A_118 : vector<128x256xf32>
    %integer_pow3A = arith.mulf %sub3A_119, %sub3A_119 : vector<128x256xf32>
    %reduce_sum3A_120 = arith.constant dense<0.000000e+00> : vector<128xf32>
    %reduce_sum3A_121 = vector.multi_reduction <add>, %integer_pow3A, %reduce_sum3A_120 [1] : vector<128x256xf32> to vector<128xf32>
    %broadcast_in_dim3A_122 = vector.shape_cast %reduce_sum3A_121 : vector<128xf32> to vector<128x1xf32>
    %div3A_123 = arith.constant 2.560000e+02 : f32
    %div3A_124 = vector.broadcast %div3A_123 : f32 to vector<128x1xf32>
    %div3A_125 = arith.divf %broadcast_in_dim3A_122, %div3A_124 : vector<128x1xf32>
    %sub3A_126 = vector.broadcast %div3A_117 : vector<128x1xf32> to vector<128x256xf32>
    %sub3A_127 = arith.subf %add3A_105, %sub3A_126 : vector<128x256xf32>
    %add3A_128 = arith.constant 9.99999974E-6 : f32
    %add3A_129 = vector.broadcast %add3A_128 : f32 to vector<128x1xf32>
    %add3A_130 = arith.addf %div3A_125, %add3A_129 : vector<128x1xf32>
    %sqrt3A_131 = math.sqrt %add3A_130 : vector<128x1xf32>
    %div3A_132 = vector.broadcast %sqrt3A_131 : vector<128x1xf32> to vector<128x256xf32>
    %div3A_133 = arith.divf %sub3A_127, %div3A_132 : vector<128x256xf32>
    %mul3A_134 = vector.broadcast %get3A_108 : vector<1x256xf32> to vector<128x256xf32>
    %mul3A_135 = arith.mulf %div3A_133, %mul3A_134 : vector<128x256xf32>
    %add3A_136 = vector.broadcast %get3A_111 : vector<1x256xf32> to vector<128x256xf32>
    %add3A_137 = arith.addf %mul3A_135, %add3A_136 : vector<128x256xf32>
    %get3A_138 = arith.constant 0 : index
    %get3A_139 = arith.constant 0 : index
    %get3A_140 = vector.load %arg16[%get3A_138, %get3A_139] : memref<256x1024xf32, #tpu.memory_space<vmem>>, vector<256x1024xf32>
    %convert_element_type3A_141 = arith.truncf %add3A_137 : vector<128x256xf32> to vector<128x256xbf16>
    %convert_element_type3A_142 = arith.truncf %get3A_140 : vector<256x1024xf32> to vector<256x1024xbf16>
    %dot_general3A_143 = arith.constant dense<0.000000e+00> : vector<128x1024xf32>
    %dot_general3A_144 = tpu.matmul %convert_element_type3A_141, %convert_element_type3A_142, %dot_general3A_143 {dimension_numbers = #tpu.dot_dimension_numbers<[1], [0], [0], [1], [0, 0, 1, 1], [], []>, transpose_lhs_hint = false} : vector<128x256xbf16>, vector<256x1024xbf16>, vector<128x1024xf32> -> vector<128x1024xf32>
    %get3A_145 = arith.constant 0 : index
    %get3A_146 = arith.constant 0 : index
    %get3A_147 = vector.load %arg17[%get3A_145, %get3A_146] : memref<1x1024xf32, #tpu.memory_space<vmem>>, vector<1x1024xf32>
    %add3A_148 = vector.broadcast %get3A_147 : vector<1x1024xf32> to vector<128x1024xf32>
    %add3A_149 = arith.addf %dot_general3A_144, %add3A_148 : vector<128x1024xf32>
    %max3A = arith.constant 0.000000e+00 : f32
    %max3A_150 = vector.broadcast %max3A : f32 to vector<128x1024xf32>
    %max3A_151 = arith.maximumf %add3A_149, %max3A_150 : vector<128x1024xf32>
    %abs3A = math.absf %add3A_149 : vector<128x1024xf32>
    %neg3A = arith.constant 0.000000e+00 : f32
    %neg3A_152 = vector.broadcast %neg3A : f32 to vector<128x1024xf32>
    %neg3A_153 = arith.subf %neg3A_152, %abs3A : vector<128x1024xf32>
    %exp3A_154 = math.exp %neg3A_153 : vector<128x1024xf32>
    %log1p3A = math.log1p %exp3A_154 : vector<128x1024xf32>
    %add3A_155 = arith.addf %max3A_151, %log1p3A : vector<128x1024xf32>
    %tanh3A = math.tanh %add3A_155 : vector<128x1024xf32>
    %mul3A_156 = arith.mulf %add3A_149, %tanh3A : vector<128x1024xf32>
    %get3A_157 = arith.constant 0 : index
    %get3A_158 = arith.constant 0 : index
    %get3A_159 = vector.load %arg18[%get3A_157, %get3A_158] : memref<1024x256xf32, #tpu.memory_space<vmem>>, vector<1024x256xf32>
    %convert_element_type3A_160 = arith.truncf %mul3A_156 : vector<128x1024xf32> to vector<128x1024xbf16>
    %convert_element_type3A_161 = arith.truncf %get3A_159 : vector<1024x256xf32> to vector<1024x256xbf16>
    %dot_general3A_162 = arith.constant dense<0.000000e+00> : vector<128x256xf32>
    %dot_general3A_163 = tpu.matmul %convert_element_type3A_160, %convert_element_type3A_161, %dot_general3A_162 {dimension_numbers = #tpu.dot_dimension_numbers<[1], [0], [0], [1], [0, 0, 1, 1], [], []>, transpose_lhs_hint = false} : vector<128x1024xbf16>, vector<1024x256xbf16>, vector<128x256xf32> -> vector<128x256xf32>
    %get3A_164 = arith.constant 0 : index
    %get3A_165 = arith.constant 0 : index
    %get3A_166 = vector.load %arg19[%get3A_164, %get3A_165] : memref<1x256xf32, #tpu.memory_space<vmem>>, vector<1x256xf32>
    %add3A_167 = vector.broadcast %get3A_166 : vector<1x256xf32> to vector<128x256xf32>
    %add3A_168 = arith.addf %dot_general3A_163, %add3A_167 : vector<128x256xf32>
    %add3A_169 = arith.addf %add3A_137, %add3A_168 : vector<128x256xf32>
    %get3A_170 = arith.constant 0 : index
    %get3A_171 = arith.constant 0 : index
    %get3A_172 = vector.load %arg20[%get3A_170, %get3A_171] : memref<1x256xf32, #tpu.memory_space<vmem>>, vector<1x256xf32>
    %get3A_173 = arith.constant 0 : index
    %get3A_174 = arith.constant 0 : index
    %get3A_175 = vector.load %arg21[%get3A_173, %get3A_174] : memref<1x256xf32, #tpu.memory_space<vmem>>, vector<1x256xf32>
    %reduce_sum3A_176 = arith.constant dense<0.000000e+00> : vector<128xf32>
    %reduce_sum3A_177 = vector.multi_reduction <add>, %add3A_169, %reduce_sum3A_176 [1] : vector<128x256xf32> to vector<128xf32>
    %broadcast_in_dim3A_178 = vector.shape_cast %reduce_sum3A_177 : vector<128xf32> to vector<128x1xf32>
    %div3A_179 = arith.constant 2.560000e+02 : f32
    %div3A_180 = vector.broadcast %div3A_179 : f32 to vector<128x1xf32>
    %div3A_181 = arith.divf %broadcast_in_dim3A_178, %div3A_180 : vector<128x1xf32>
    %sub3A_182 = vector.broadcast %div3A_181 : vector<128x1xf32> to vector<128x256xf32>
    %sub3A_183 = arith.subf %add3A_169, %sub3A_182 : vector<128x256xf32>
    %integer_pow3A_184 = arith.mulf %sub3A_183, %sub3A_183 : vector<128x256xf32>
    %reduce_sum3A_185 = arith.constant dense<0.000000e+00> : vector<128xf32>
    %reduce_sum3A_186 = vector.multi_reduction <add>, %integer_pow3A_184, %reduce_sum3A_185 [1] : vector<128x256xf32> to vector<128xf32>
    %broadcast_in_dim3A_187 = vector.shape_cast %reduce_sum3A_186 : vector<128xf32> to vector<128x1xf32>
    %div3A_188 = arith.constant 2.560000e+02 : f32
    %div3A_189 = vector.broadcast %div3A_188 : f32 to vector<128x1xf32>
    %div3A_190 = arith.divf %broadcast_in_dim3A_187, %div3A_189 : vector<128x1xf32>
    %sub3A_191 = vector.broadcast %div3A_181 : vector<128x1xf32> to vector<128x256xf32>
    %sub3A_192 = arith.subf %add3A_169, %sub3A_191 : vector<128x256xf32>
    %add3A_193 = arith.constant 9.99999974E-6 : f32
    %add3A_194 = vector.broadcast %add3A_193 : f32 to vector<128x1xf32>
    %add3A_195 = arith.addf %div3A_190, %add3A_194 : vector<128x1xf32>
    %sqrt3A_196 = math.sqrt %add3A_195 : vector<128x1xf32>
    %div3A_197 = vector.broadcast %sqrt3A_196 : vector<128x1xf32> to vector<128x256xf32>
    %div3A_198 = arith.divf %sub3A_192, %div3A_197 : vector<128x256xf32>
    %mul3A_199 = vector.broadcast %get3A_172 : vector<1x256xf32> to vector<128x256xf32>
    %mul3A_200 = arith.mulf %div3A_198, %mul3A_199 : vector<128x256xf32>
    %add3A_201 = vector.broadcast %get3A_175 : vector<1x256xf32> to vector<128x256xf32>
    %add3A_202 = arith.addf %mul3A_200, %add3A_201 : vector<128x256xf32>
    %get3A_203 = arith.constant 0 : index
    %get3A_204 = arith.constant 0 : index
    %get3A_205 = vector.load %arg10[%get3A_203, %get3A_204] : memref<256x256xf32, #tpu.memory_space<vmem>>, vector<256x256xf32>
    %convert_element_type3A_206 = arith.truncf %add3A_202 : vector<128x256xf32> to vector<128x256xbf16>
    %convert_element_type3A_207 = arith.truncf %get3A_205 : vector<256x256xf32> to vector<256x256xbf16>
    %dot_general3A_208 = arith.constant dense<0.000000e+00> : vector<128x256xf32>
    %dot_general3A_209 = tpu.matmul %convert_element_type3A_206, %convert_element_type3A_207, %dot_general3A_208 {dimension_numbers = #tpu.dot_dimension_numbers<[1], [0], [0], [1], [0, 0, 1, 1], [], []>, transpose_lhs_hint = false} : vector<128x256xbf16>, vector<256x256xbf16>, vector<128x256xf32> -> vector<128x256xf32>
    %get3A_210 = arith.constant 0 : index
    %get3A_211 = arith.constant 0 : index
    %get3A_212 = vector.load %arg11[%get3A_210, %get3A_211] : memref<1x256xf32, #tpu.memory_space<vmem>>, vector<1x256xf32>
    %add3A_213 = vector.broadcast %get3A_212 : vector<1x256xf32> to vector<128x256xf32>
    %add3A_214 = arith.addf %dot_general3A_209, %add3A_213 : vector<128x256xf32>
    %broadcast_in_dim3A_215 = vector.shape_cast %add3A_214 : vector<128x256xf32> to vector<128x1x256xf32>
    %mul3A_216 = vector.broadcast %broadcast_in_dim3A_215 : vector<128x1x256xf32> to vector<128x16x256xf32>
    %mul3A_217 = arith.mulf %reshape3A_29, %mul3A_216 : vector<128x16x256xf32>
    %reshape3A_218 = vector.shape_cast %mul3A_217 : vector<128x16x256xf32> to vector<2048x256xf32>
    %get3A_219 = arith.constant 0 : index
    %get3A_220 = arith.constant 0 : index
    %get3A_221 = vector.load %arg4[%get3A_219, %get3A_220] : memref<256x4xf32, #tpu.memory_space<vmem>>, vector<256x4xf32>
    %dot_general3A_222 = arith.constant dense<0.000000e+00> : vector<2048x4xf32>
    %dot_general3A_223 = tpu.matmul %reshape3A_218, %get3A_221, %dot_general3A_222 {dimension_numbers = #tpu.dot_dimension_numbers<[1], [0], [0], [1], [0, 0, 1, 1], [], []>, transpose_lhs_hint = false} : vector<2048x256xf32>, vector<256x4xf32>, vector<2048x4xf32> -> vector<2048x4xf32>
    %reshape3A_224 = vector.shape_cast %dot_general3A_223 : vector<2048x4xf32> to vector<128x16x4xf32>
    %mul3A_225 = vector.broadcast %div3A_50 : f32 to vector<128x16x4xf32>
    %mul3A_226 = arith.mulf %reshape3A_224, %mul3A_225 : vector<128x16x4xf32>
    %reduce_max3A_227 = arith.constant dense<0xFF800000> : vector<128x4xf32>
    %reduce_max3A_228 = vector.multi_reduction <maximumf>, %mul3A_226, %reduce_max3A_227 [1] : vector<128x16x4xf32> to vector<128x4xf32>
    %broadcast_in_dim3A_229 = vector.shape_cast %reduce_max3A_228 : vector<128x4xf32> to vector<128x1x4xf32>
    %sub3A_230 = vector.broadcast %broadcast_in_dim3A_229 : vector<128x1x4xf32> to vector<128x16x4xf32>
    %sub3A_231 = arith.subf %mul3A_226, %sub3A_230 : vector<128x16x4xf32>
    %exp3A_232 = math.exp %sub3A_231 : vector<128x16x4xf32>
    %reduce_sum3A_233 = arith.constant dense<0.000000e+00> : vector<128x4xf32>
    %reduce_sum3A_234 = vector.multi_reduction <add>, %exp3A_232, %reduce_sum3A_233 [1] : vector<128x16x4xf32> to vector<128x4xf32>
    %broadcast_in_dim3A_235 = vector.shape_cast %reduce_sum3A_234 : vector<128x4xf32> to vector<128x1x4xf32>
    %div3A_236 = vector.broadcast %broadcast_in_dim3A_235 : vector<128x1x4xf32> to vector<128x16x4xf32>
    %div3A_237 = arith.divf %exp3A_232, %div3A_236 : vector<128x16x4xf32>
    %reshape3A_238 = vector.shape_cast %div3A_237 : vector<128x16x4xf32> to vector<2048x4xf32>
    %get3A_239 = arith.constant 0 : index
    %get3A_240 = arith.constant 0 : index
    %get3A_241 = vector.load %arg5[%get3A_239, %get3A_240] : memref<4x256xf32, #tpu.memory_space<vmem>>, vector<4x256xf32>
    %dot_general3A_242 = arith.constant dense<0.000000e+00> : vector<2048x256xf32>
    %dot_general3A_243 = tpu.matmul %reshape3A_238, %get3A_241, %dot_general3A_242 {dimension_numbers = #tpu.dot_dimension_numbers<[1], [0], [0], [1], [0, 0, 1, 1], [], []>, transpose_lhs_hint = false} : vector<2048x4xf32>, vector<4x256xf32>, vector<2048x256xf32> -> vector<2048x256xf32>
    %reshape3A_244 = vector.shape_cast %dot_general3A_243 : vector<2048x256xf32> to vector<128x16x256xf32>
    %mul3A_245 = arith.mulf %reshape3A_244, %reshape3A_43 : vector<128x16x256xf32>
    %reduce_sum3A_246 = arith.constant dense<0.000000e+00> : vector<128x256xf32>
    %reduce_sum3A_247 = vector.multi_reduction <add>, %mul3A_245, %reduce_sum3A_246 [1] : vector<128x16x256xf32> to vector<128x256xf32>
    %get3A_248 = arith.constant 0 : index
    %get3A_249 = arith.constant 0 : index
    %get3A_250 = vector.load %arg12[%get3A_248, %get3A_249] : memref<256x256xf32, #tpu.memory_space<vmem>>, vector<256x256xf32>
    %convert_element_type3A_251 = arith.truncf %reduce_sum3A_247 : vector<128x256xf32> to vector<128x256xbf16>
    %convert_element_type3A_252 = arith.truncf %get3A_250 : vector<256x256xf32> to vector<256x256xbf16>
    %dot_general3A_253 = arith.constant dense<0.000000e+00> : vector<128x256xf32>
    %dot_general3A_254 = tpu.matmul %convert_element_type3A_251, %convert_element_type3A_252, %dot_general3A_253 {dimension_numbers = #tpu.dot_dimension_numbers<[1], [0], [0], [1], [0, 0, 1, 1], [], []>, transpose_lhs_hint = false} : vector<128x256xbf16>, vector<256x256xbf16>, vector<128x256xf32> -> vector<128x256xf32>
    %get3A_255 = arith.constant 0 : index
    %get3A_256 = arith.constant 0 : index
    %get3A_257 = vector.load %arg13[%get3A_255, %get3A_256] : memref<1x256xf32, #tpu.memory_space<vmem>>, vector<1x256xf32>
    %add3A_258 = vector.broadcast %get3A_257 : vector<1x256xf32> to vector<128x256xf32>
    %add3A_259 = arith.addf %dot_general3A_254, %add3A_258 : vector<128x256xf32>
    %add3A_260 = arith.addf %add3A_202, %add3A_259 : vector<128x256xf32>
    %get3A_261 = arith.constant 0 : index
    %get3A_262 = arith.constant 0 : index
    %get3A_263 = vector.load %arg14[%get3A_261, %get3A_262] : memref<1x256xf32, #tpu.memory_space<vmem>>, vector<1x256xf32>
    %get3A_264 = arith.constant 0 : index
    %get3A_265 = arith.constant 0 : index
    %get3A_266 = vector.load %arg15[%get3A_264, %get3A_265] : memref<1x256xf32, #tpu.memory_space<vmem>>, vector<1x256xf32>
    %reduce_sum3A_267 = arith.constant dense<0.000000e+00> : vector<128xf32>
    %reduce_sum3A_268 = vector.multi_reduction <add>, %add3A_260, %reduce_sum3A_267 [1] : vector<128x256xf32> to vector<128xf32>
    %broadcast_in_dim3A_269 = vector.shape_cast %reduce_sum3A_268 : vector<128xf32> to vector<128x1xf32>
    %div3A_270 = arith.constant 2.560000e+02 : f32
    %div3A_271 = vector.broadcast %div3A_270 : f32 to vector<128x1xf32>
    %div3A_272 = arith.divf %broadcast_in_dim3A_269, %div3A_271 : vector<128x1xf32>
    %sub3A_273 = vector.broadcast %div3A_272 : vector<128x1xf32> to vector<128x256xf32>
    %sub3A_274 = arith.subf %add3A_260, %sub3A_273 : vector<128x256xf32>
    %integer_pow3A_275 = arith.mulf %sub3A_274, %sub3A_274 : vector<128x256xf32>
    %reduce_sum3A_276 = arith.constant dense<0.000000e+00> : vector<128xf32>
    %reduce_sum3A_277 = vector.multi_reduction <add>, %integer_pow3A_275, %reduce_sum3A_276 [1] : vector<128x256xf32> to vector<128xf32>
    %broadcast_in_dim3A_278 = vector.shape_cast %reduce_sum3A_277 : vector<128xf32> to vector<128x1xf32>
    %div3A_279 = arith.constant 2.560000e+02 : f32
    %div3A_280 = vector.broadcast %div3A_279 : f32 to vector<128x1xf32>
    %div3A_281 = arith.divf %broadcast_in_dim3A_278, %div3A_280 : vector<128x1xf32>
    %sub3A_282 = vector.broadcast %div3A_272 : vector<128x1xf32> to vector<128x256xf32>
    %sub3A_283 = arith.subf %add3A_260, %sub3A_282 : vector<128x256xf32>
    %add3A_284 = arith.constant 9.99999974E-6 : f32
    %add3A_285 = vector.broadcast %add3A_284 : f32 to vector<128x1xf32>
    %add3A_286 = arith.addf %div3A_281, %add3A_285 : vector<128x1xf32>
    %sqrt3A_287 = math.sqrt %add3A_286 : vector<128x1xf32>
    %div3A_288 = vector.broadcast %sqrt3A_287 : vector<128x1xf32> to vector<128x256xf32>
    %div3A_289 = arith.divf %sub3A_283, %div3A_288 : vector<128x256xf32>
    %mul3A_290 = vector.broadcast %get3A_263 : vector<1x256xf32> to vector<128x256xf32>
    %mul3A_291 = arith.mulf %div3A_289, %mul3A_290 : vector<128x256xf32>
    %add3A_292 = vector.broadcast %get3A_266 : vector<1x256xf32> to vector<128x256xf32>
    %add3A_293 = arith.addf %mul3A_291, %add3A_292 : vector<128x256xf32>
    %get3A_294 = arith.constant 0 : index
    %get3A_295 = arith.constant 0 : index
    %get3A_296 = vector.load %arg16[%get3A_294, %get3A_295] : memref<256x1024xf32, #tpu.memory_space<vmem>>, vector<256x1024xf32>
    %convert_element_type3A_297 = arith.truncf %add3A_293 : vector<128x256xf32> to vector<128x256xbf16>
    %convert_element_type3A_298 = arith.truncf %get3A_296 : vector<256x1024xf32> to vector<256x1024xbf16>
    %dot_general3A_299 = arith.constant dense<0.000000e+00> : vector<128x1024xf32>
    %dot_general3A_300 = tpu.matmul %convert_element_type3A_297, %convert_element_type3A_298, %dot_general3A_299 {dimension_numbers = #tpu.dot_dimension_numbers<[1], [0], [0], [1], [0, 0, 1, 1], [], []>, transpose_lhs_hint = false} : vector<128x256xbf16>, vector<256x1024xbf16>, vector<128x1024xf32> -> vector<128x1024xf32>
    %get3A_301 = arith.constant 0 : index
    %get3A_302 = arith.constant 0 : index
    %get3A_303 = vector.load %arg17[%get3A_301, %get3A_302] : memref<1x1024xf32, #tpu.memory_space<vmem>>, vector<1x1024xf32>
    %add3A_304 = vector.broadcast %get3A_303 : vector<1x1024xf32> to vector<128x1024xf32>
    %add3A_305 = arith.addf %dot_general3A_300, %add3A_304 : vector<128x1024xf32>
    %max3A_306 = arith.constant 0.000000e+00 : f32
    %max3A_307 = vector.broadcast %max3A_306 : f32 to vector<128x1024xf32>
    %max3A_308 = arith.maximumf %add3A_305, %max3A_307 : vector<128x1024xf32>
    %abs3A_309 = math.absf %add3A_305 : vector<128x1024xf32>
    %neg3A_310 = arith.constant 0.000000e+00 : f32
    %neg3A_311 = vector.broadcast %neg3A_310 : f32 to vector<128x1024xf32>
    %neg3A_312 = arith.subf %neg3A_311, %abs3A_309 : vector<128x1024xf32>
    %exp3A_313 = math.exp %neg3A_312 : vector<128x1024xf32>
    %log1p3A_314 = math.log1p %exp3A_313 : vector<128x1024xf32>
    %add3A_315 = arith.addf %max3A_308, %log1p3A_314 : vector<128x1024xf32>
    %tanh3A_316 = math.tanh %add3A_315 : vector<128x1024xf32>
    %mul3A_317 = arith.mulf %add3A_305, %tanh3A_316 : vector<128x1024xf32>
    %get3A_318 = arith.constant 0 : index
    %get3A_319 = arith.constant 0 : index
    %get3A_320 = vector.load %arg18[%get3A_318, %get3A_319] : memref<1024x256xf32, #tpu.memory_space<vmem>>, vector<1024x256xf32>
    %convert_element_type3A_321 = arith.truncf %mul3A_317 : vector<128x1024xf32> to vector<128x1024xbf16>
    %convert_element_type3A_322 = arith.truncf %get3A_320 : vector<1024x256xf32> to vector<1024x256xbf16>
    %dot_general3A_323 = arith.constant dense<0.000000e+00> : vector<128x256xf32>
    %dot_general3A_324 = tpu.matmul %convert_element_type3A_321, %convert_element_type3A_322, %dot_general3A_323 {dimension_numbers = #tpu.dot_dimension_numbers<[1], [0], [0], [1], [0, 0, 1, 1], [], []>, transpose_lhs_hint = false} : vector<128x1024xbf16>, vector<1024x256xbf16>, vector<128x256xf32> -> vector<128x256xf32>
    %get3A_325 = arith.constant 0 : index
    %get3A_326 = arith.constant 0 : index
    %get3A_327 = vector.load %arg19[%get3A_325, %get3A_326] : memref<1x256xf32, #tpu.memory_space<vmem>>, vector<1x256xf32>
    %add3A_328 = vector.broadcast %get3A_327 : vector<1x256xf32> to vector<128x256xf32>
    %add3A_329 = arith.addf %dot_general3A_324, %add3A_328 : vector<128x256xf32>
    %add3A_330 = arith.addf %add3A_293, %add3A_329 : vector<128x256xf32>
    %get3A_331 = arith.constant 0 : index
    %get3A_332 = arith.constant 0 : index
    %get3A_333 = vector.load %arg20[%get3A_331, %get3A_332] : memref<1x256xf32, #tpu.memory_space<vmem>>, vector<1x256xf32>
    %get3A_334 = arith.constant 0 : index
    %get3A_335 = arith.constant 0 : index
    %get3A_336 = vector.load %arg21[%get3A_334, %get3A_335] : memref<1x256xf32, #tpu.memory_space<vmem>>, vector<1x256xf32>
    %reduce_sum3A_337 = arith.constant dense<0.000000e+00> : vector<128xf32>
    %reduce_sum3A_338 = vector.multi_reduction <add>, %add3A_330, %reduce_sum3A_337 [1] : vector<128x256xf32> to vector<128xf32>
    %broadcast_in_dim3A_339 = vector.shape_cast %reduce_sum3A_338 : vector<128xf32> to vector<128x1xf32>
    %div3A_340 = arith.constant 2.560000e+02 : f32
    %div3A_341 = vector.broadcast %div3A_340 : f32 to vector<128x1xf32>
    %div3A_342 = arith.divf %broadcast_in_dim3A_339, %div3A_341 : vector<128x1xf32>
    %sub3A_343 = vector.broadcast %div3A_342 : vector<128x1xf32> to vector<128x256xf32>
    %sub3A_344 = arith.subf %add3A_330, %sub3A_343 : vector<128x256xf32>
    %integer_pow3A_345 = arith.mulf %sub3A_344, %sub3A_344 : vector<128x256xf32>
    %reduce_sum3A_346 = arith.constant dense<0.000000e+00> : vector<128xf32>
    %reduce_sum3A_347 = vector.multi_reduction <add>, %integer_pow3A_345, %reduce_sum3A_346 [1] : vector<128x256xf32> to vector<128xf32>
    %broadcast_in_dim3A_348 = vector.shape_cast %reduce_sum3A_347 : vector<128xf32> to vector<128x1xf32>
    %div3A_349 = arith.constant 2.560000e+02 : f32
    %div3A_350 = vector.broadcast %div3A_349 : f32 to vector<128x1xf32>
    %div3A_351 = arith.divf %broadcast_in_dim3A_348, %div3A_350 : vector<128x1xf32>
    %sub3A_352 = vector.broadcast %div3A_342 : vector<128x1xf32> to vector<128x256xf32>
    %sub3A_353 = arith.subf %add3A_330, %sub3A_352 : vector<128x256xf32>
    %add3A_354 = arith.constant 9.99999974E-6 : f32
    %add3A_355 = vector.broadcast %add3A_354 : f32 to vector<128x1xf32>
    %add3A_356 = arith.addf %div3A_351, %add3A_355 : vector<128x1xf32>
    %sqrt3A_357 = math.sqrt %add3A_356 : vector<128x1xf32>
    %div3A_358 = vector.broadcast %sqrt3A_357 : vector<128x1xf32> to vector<128x256xf32>
    %div3A_359 = arith.divf %sub3A_353, %div3A_358 : vector<128x256xf32>
    %mul3A_360 = vector.broadcast %get3A_333 : vector<1x256xf32> to vector<128x256xf32>
    %mul3A_361 = arith.mulf %div3A_359, %mul3A_360 : vector<128x256xf32>
    %add3A_362 = vector.broadcast %get3A_336 : vector<1x256xf32> to vector<128x256xf32>
    %add3A_363 = arith.addf %mul3A_361, %add3A_362 : vector<128x256xf32>
    %swap3A = arith.constant 0 : index
    %swap3A_364 = arith.constant 0 : index
    %swap3A_365 = vector.load %arg22[%swap3A, %swap3A_364] : memref<128x256xf32, #tpu.memory_space<vmem>>, vector<128x256xf32>
    tpu.vector_store %arg22[%swap3A, %swap3A_364], %add3A_363 {strides = array<i32>} : memref<128x256xf32, #tpu.memory_space<vmem>>, vector<128x256xf32>,
    return
  }
  func.func @transform_0(%arg0: i32) -> (i32, i32, i32) {
    %c0_i32 = arith.constant 0 : i32
    %c0_i32_0 = arith.constant 0 : i32
    %c0_i32_1 = arith.constant 0 : i32
    return %arg0, %c0_i32, %c0_i32_0 : i32, i32, i32
  }
  func.func @transform_1(%arg0: i32) -> (i32, i32) {
    %c0_i32 = arith.constant 0 : i32
    %c0_i32_0 = arith.constant 0 : i32
    return %arg0, %c0_i32 : i32, i32
  }
  func.func @transform_2(%arg0: i32) -> (i32, i32) {
    %c0_i32 = arith.constant 0 : i32
    %c0_i32_0 = arith.constant 0 : i32
    return %arg0, %c0_i32 : i32, i32
  }
  func.func @transform_3(%arg0: i32) -> (i32, i32) {
    %c0_i32 = arith.constant 0 : i32
    %c0_i32_0 = arith.constant 0 : i32
    %c0_i32_1 = arith.constant 0 : i32
    return %c0_i32, %c0_i32_0 : i32, i32
  }
  func.func @transform_4(%arg0: i32) -> (i32, i32) {
    %c0_i32 = arith.constant 0 : i32
    %c0_i32_0 = arith.constant 0 : i32
    %c0_i32_1 = arith.constant 0 : i32
    return %c0_i32, %c0_i32_0 : i32, i32
  }
  func.func @transform_5(%arg0: i32) -> (i32, i32) {
    %c0_i32 = arith.constant 0 : i32
    %c0_i32_0 = arith.constant 0 : i32
    %c0_i32_1 = arith.constant 0 : i32
    return %c0_i32, %c0_i32_0 : i32, i32
  }
  func.func @transform_6(%arg0: i32) -> (i32, i32) {
    %c0_i32 = arith.constant 0 : i32
    %c0_i32_0 = arith.constant 0 : i32
    %c0_i32_1 = arith.constant 0 : i32
    return %c0_i32, %c0_i32_0 : i32, i32
  }
  func.func @transform_7(%arg0: i32) -> (i32, i32) {
    %c0_i32 = arith.constant 0 : i32
    %c0_i32_0 = arith.constant 0 : i32
    %c0_i32_1 = arith.constant 0 : i32
    return %c0_i32, %c0_i32_0 : i32, i32
  }
  func.func @transform_8(%arg0: i32) -> (i32, i32) {
    %c0_i32 = arith.constant 0 : i32
    %c0_i32_0 = arith.constant 0 : i32
    %c0_i32_1 = arith.constant 0 : i32
    return %c0_i32, %c0_i32_0 : i32, i32
  }
  func.func @transform_9(%arg0: i32) -> (i32, i32) {
    %c0_i32 = arith.constant 0 : i32
    %c0_i32_0 = arith.constant 0 : i32
    %c0_i32_1 = arith.constant 0 : i32
    return %c0_i32, %c0_i32_0 : i32, i32
  }
  func.func @transform_10(%arg0: i32) -> (i32, i32) {
    %c0_i32 = arith.constant 0 : i32
    %c0_i32_0 = arith.constant 0 : i32
    %c0_i32_1 = arith.constant 0 : i32
    return %c0_i32, %c0_i32_0 : i32, i32
  }
  func.func @transform_11(%arg0: i32) -> (i32, i32) {
    %c0_i32 = arith.constant 0 : i32
    %c0_i32_0 = arith.constant 0 : i32
    %c0_i32_1 = arith.constant 0 : i32
    return %c0_i32, %c0_i32_0 : i32, i32
  }
  func.func @transform_12(%arg0: i32) -> (i32, i32) {
    %c0_i32 = arith.constant 0 : i32
    %c0_i32_0 = arith.constant 0 : i32
    %c0_i32_1 = arith.constant 0 : i32
    return %c0_i32, %c0_i32_0 : i32, i32
  }
  func.func @transform_13(%arg0: i32) -> (i32, i32) {
    %c0_i32 = arith.constant 0 : i32
    %c0_i32_0 = arith.constant 0 : i32
    %c0_i32_1 = arith.constant 0 : i32
    return %c0_i32, %c0_i32_0 : i32, i32
  }
  func.func @transform_14(%arg0: i32) -> (i32, i32) {
    %c0_i32 = arith.constant 0 : i32
    %c0_i32_0 = arith.constant 0 : i32
    %c0_i32_1 = arith.constant 0 : i32
    return %c0_i32, %c0_i32_0 : i32, i32
  }
  func.func @transform_15(%arg0: i32) -> (i32, i32) {
    %c0_i32 = arith.constant 0 : i32
    %c0_i32_0 = arith.constant 0 : i32
    %c0_i32_1 = arith.constant 0 : i32
    return %c0_i32, %c0_i32_0 : i32, i32
  }
  func.func @transform_16(%arg0: i32) -> (i32, i32) {
    %c0_i32 = arith.constant 0 : i32
    %c0_i32_0 = arith.constant 0 : i32
    %c0_i32_1 = arith.constant 0 : i32
    return %c0_i32, %c0_i32_0 : i32, i32
  }
  func.func @transform_17(%arg0: i32) -> (i32, i32) {
    %c0_i32 = arith.constant 0 : i32
    %c0_i32_0 = arith.constant 0 : i32
    %c0_i32_1 = arith.constant 0 : i32
    return %c0_i32, %c0_i32_0 : i32, i32
  }
  func.func @transform_18(%arg0: i32) -> (i32, i32) {
    %c0_i32 = arith.constant 0 : i32
    %c0_i32_0 = arith.constant 0 : i32
    %c0_i32_1 = arith.constant 0 : i32
    return %c0_i32, %c0_i32_0 : i32, i32
  }
  func.func @transform_19(%arg0: i32) -> (i32, i32) {
    %c0_i32 = arith.constant 0 : i32
    %c0_i32_0 = arith.constant 0 : i32
    %c0_i32_1 = arith.constant 0 : i32
    return %c0_i32, %c0_i32_0 : i32, i32
  }
  func.func @transform_20(%arg0: i32) -> (i32, i32) {
    %c0_i32 = arith.constant 0 : i32
    %c0_i32_0 = arith.constant 0 : i32
    %c0_i32_1 = arith.constant 0 : i32
    return %c0_i32, %c0_i32_0 : i32, i32
  }
  func.func @transform_21(%arg0: i32) -> (i32, i32) {
    %c0_i32 = arith.constant 0 : i32
    %c0_i32_0 = arith.constant 0 : i32
    return %arg0, %c0_i32 : i32, i32
  }
}

</mosaic_0001>

<sc_bundles>
// kernel: kernel.12.cloned.1.call-start
scs
__scs_entry_jumppad:
0x0: {  	(pc) =	sbr.rel $0x88, $3  }
0x1: {  	(tag) =	ssettag $0x0;
	lr =	simm.s32 $0x1  }
0x2: {  	[smem:$0x3F80] =	sst lr;
	_ =	strace $0xD0000000  }
0x3: {  	_ = 	snop  }
0x4: {  	_ = 	snop  }
0x5: {  	_ = 	snop  }
0x6: {  	_ = 	snop  }
0x7: {  	_ = 	snop  }
__scs_overlays_trampoline_lowered:
0x8: {  	[smem:$0x3F8F] =	sst s0  }
0x9: {  	[smem:$0x3F90] =	sst s1  }
0xa: {  	[smem:$0x3F91] =	sst s2  }
0xb: {  	[smem:$0x3F92] =	sst s3  }
0xc: {  	[smem:$0x3F93] =	sst s4  }
0xd: {  	[smem:$0x3F94] =	sst s5  }
0xe: {  	[smem:$0x3F95] =	sst s6  }
0xf: {  	[smem:$0x3F96] =	sst s7  }
0x10: {  	[smem:$0x3F97] =	sst s8  }
0x11: {  	[smem:$0x3F98] =	sst s9;
	s0 =	simm.s32 @!p0 $0x0  }
0x12: {  	s1 =	sld [smem:$0x3F7E];
	s0 =	simm.s32 @p0 $0x1  }
0x13: {  	[smem:$0x3F99] =	sst s0;
	s0 =	simm.s32 @!p1 $0x0  }
0x14: {  	s2 =	sld [smem:$0x3F7D];
	s0 =	simm.s32 @p1 $0x1  }
0x15: {  	[smem:$0x3F9A] =	sst s0;
	s0 =	simm.s32 @!p2 $0x0  }
0x16: {  	s3 =	sld [smem:$0x3FDB];
	s0 =	simm.s32 @p2 $0x1  }
0x17: {  	s4 =	simm.s32 $0x1BF5;
	[smem:$0x3F9C] =	sst s0  }
0x18: {  	s0 =	sld [smem:$0x3F7F];
	_ =	swait.ge [sflag:s4], $0x0  }
0x19: {  	s7 =	sld [smem:$0x3F80]  }
0x1a: {  	s8 =	sadd.s32 $0xFFFFE003, lr  }
0x1b: {  	s9 =	sadd.s32 $0xFFFFFEF7, lr;
	s5 =	simm.s32 $0xFFFFFFFF;
	p2 =	slt.u32 s8, $0xFFFFF086  }
0x1c: {  	p1 =	slt.u32 s9, $0xF7A;
	s5 =	simm.s32 @!p2 $0x0  }
0x1d: {  	s5 =	simm.s32 @p1 $0x1;
	p0 =	seq.s32 s7, s2  }
0x1e: {  	s7 =	smul.u32 @!p0 $0xF7A, s2;
	p2 =	seq.s32 @!p0 s5, $0x0  }
0x1f: {  	s9 =	smul.u32 $0xF7A, s1;
	s8 =	simm.s32 @!p0 $0x1BF5;
	p2 =	por !p2, p0  }
0x20: {  	[sflag:s8] =	ssyncset.s32 @!p0 $0xFFFFF086;
	s6 =	sadd.s32 @!p0 s3, s7;
	s7 =	simm.s32 @!p0 $0x108  }
0x21: {  	s3 =	sadd.s32 s3, s9;
	s6 =	sadd.s32 @!p0 $0x88, s6;
	s7 =	simm.s32 @p2 $0x1082  }
0x22: {  	[simem:s7], [sflag:s8] =	dma.local @!p0 [hbm:s6], $0xF7A  }
0x23: {  	s9 =	sor.u32 $0xD0000000, s2;
	s6 =	simm.s32 $0x108;
	_ =	swait.ge @!p0 [sflag:s8], $0x0  }
0x24: {  	s3 =	sadd.s32 $0x88, s3;
	s6 =	simm.s32 @!p1 $0x1082;
	[sflag:s4] =	ssyncset.s32 $0xFFFFF086  }
0x25: {  	[simem:s6], [sflag:s4] =	dma.local [hbm:s3], $0xF7A  }
0x26: {  	[smem:$0x3F80] =	sst s1;
	(tag) =	ssettag s2;
	_ =	strace s9  }
0x27: {  	s1 =	sld [smem:$0x3F90]  }
0x28: {  	s2 =	sld [smem:$0x3F91]  }
0x29: {  	s4 =	sld [smem:$0x3F93]  }
0x2a: {  	p0 =	seq.s32 s5, $0x0;
	s5 =	sld [smem:$0x3F94]  }
0x2b: {  	s6 =	sld [smem:$0x3F95]  }
0x2c: {  	s7 =	sld [smem:$0x3F96]  }
0x2d: {  	s3 =	simm.s32 $0x108;
	s8 =	sld [smem:$0x3F97]  }
0x2e: {  	s3 =	simm.s32 @!p0 $0x1082;
	s9 =	sld [smem:$0x3F98]  }
0x2f: {  	lr =	sadd.s32 s0, s3;
	s0 =	sld [smem:$0x3F8F]  }
0x30: {  	s3 =	sld [smem:$0x3F92]  }
0x31: {  	[smem:$0x3F9B] =	sst s10  }
0x32: {  	s10 =	sld [smem:$0x3F99];
	_ =	sdelay $0x3  }
0x33: {  	p0 =	seq.s32 s10, $0x1;
	s10 =	sld [smem:$0x3F9B];
	_ =	sdelay $0x3  }
0x34: {  	[smem:$0x3F9B] =	sst s10  }
0x35: {  	s10 =	sld [smem:$0x3F9A];
	_ =	sdelay $0x3  }
0x36: {  	p1 =	seq.s32 s10, $0x1;
	s10 =	sld [smem:$0x3F9B];
	_ =	sdelay $0x3  }
0x37: {  	[smem:$0x3F9B] =	sst s10  }
0x38: {  	s10 =	sld [smem:$0x3F9C]  }
0x39: {  	_ = 	snop;
	(pc) =	sbr.ind lr, $3  }
0x3a: {  	_ = 	snop  }
0x3b: {  	_ = 	snop  }
0x3c: {  	p2 =	seq.s32 s10, $0x1;
	s10 =	sld [smem:$0x3F9B]  }
0x3d: {  	_ =	shalt  }
0x3e: {  	_ =	shalt  }
0x3f: {  	_ =	shalt  }
0x40: {  	_ =	shalt  }
0x41: {  	_ =	shalt  }
0x42: {  	_ =	shalt  }
0x43: {  	_ =	shalt  }
0x44: {  	_ =	shalt  }
0x45: {  	_ =	shalt  }
0x46: {  	_ =	shalt  }
0x47: {  	_ =	shalt  }
0x48: {  	_ =	shalt  }
0x49: {  	_ =	shalt  }
0x4a: {  	_ =	shalt  }
0x4b: {  	_ =	shalt  }
0x4c: {  	_ =	shalt  }
0x4d: {  	_ =	shalt  }
0x4e: {  	_ =	shalt  }
0x4f: {  	_ =	shalt  }
0x50: {  	_ =	shalt  }
0x51: {  	_ =	shalt  }
0x52: {  	_ =	shalt  }
0x53: {  	_ =	shalt  }
0x54: {  	_ =	shalt  }
0x55: {  	_ =	shalt  }
0x56: {  	_ =	shalt  }
0x57: {  	_ =	shalt  }
0x58: {  	_ =	shalt  }
0x59: {  	_ =	shalt  }
0x5a: {  	_ =	shalt  }
0x5b: {  	_ =	shalt  }
0x5c: {  	_ =	shalt  }
0x5d: {  	_ =	shalt  }
0x5e: {  	_ =	shalt  }
0x5f: {  	_ =	shalt  }
0x60: {  	_ =	shalt  }
0x61: {  	_ =	shalt  }
0x62: {  	_ =	shalt  }
0x63: {  	_ =	shalt  }
0x64: {  	_ =	shalt  }
0x65: {  	_ =	shalt  }
0x66: {  	_ =	shalt  }
0x67: {  	_ =	shalt  }
0x68: {  	_ =	shalt  }
0x69: {  	_ =	shalt  }
0x6a: {  	_ =	shalt  }
0x6b: {  	_ =	shalt  }
0x6c: {  	_ =	shalt  }
0x6d: {  	_ =	shalt  }
0x6e: {  	_ =	shalt  }
0x6f: {  	_ =	shalt  }
0x70: {  	_ =	shalt  }
0x71: {  	_ =	shalt  }
0x72: {  	_ =	shalt  }
0x73: {  	_ =	shalt  }
0x74: {  	_ =	shalt  }
0x75: {  	_ =	shalt  }
0x76: {  	_ =	shalt  }
0x77: {  	_ =	shalt  }
0x78: {  	_ =	shalt  }
0x79: {  	_ =	shalt  }
0x7a: {  	_ =	shalt  }
0x7b: {  	_ =	shalt  }
0x7c: {  	_ =	shalt  }
0x7d: {  	_ =	shalt  }
0x7e: {  	_ =	shalt  }
0x7f: {  	_ =	shalt  }
0x80: {  	_ =	shalt  }
0x81: {  	_ =	shalt  }
0x82: {  	_ =	shalt  }
0x83: {  	_ =	shalt  }
0x84: {  	_ =	shalt  }
0x85: {  	_ =	shalt  }
0x86: {  	_ =	shalt  }
0x87: {  	_ =	shalt  }
.Lfunc_end0:
.L_simem_size_0:
called_computation_lowered:
.L_overlay_start_0:
0x88: {  	s2 =	sld [smem:$0x3FD9]  }
0x89: {  	s3 =	sld [smem:$0x3FFE];
	_ =	sdelay $0x1  }
0x8a: {  	s1 =	srdreg.scid  }
0x8b: {  	s0 =	sand.u32 $0x1, s1  }
0x8c: {  	s17 =	sshll.u32 s0, $0xA;
	s2 =	sadd.s32 s3, s2  }
0x8d: {  	s2 =	sadd.s32 s2, s17  }
0x8e: {  	[smem:$0x3FA7] =	sst s2  }
0x8f: {  	_ = 	snop  }
0x90: {  	(tm) =	ssettm $0x1  }
0x91: {  	s18 =	sld [smem:$0x3FFB];
	_ =	sdelay $0x3  }
0x92: {  	_ =	strace s18  }
0x93: {  	s2 =	sld [smem:$0x3FFC];
	_ =	sdelay $0x3  }
0x94: {  	_ =	strace s2  }
0x95: {  	s2 =	sld [smem:$0x3FFD];
	_ =	sdelay $0x3  }
0x96: {  	_ =	strace s2  }
0x97: {  	_ =	strace $0x8FFFFFFF  }
0x98: {  	s19 =	sld [smem:$0x3FDB];
	_ =	sdelay $0x1  }
0x99: {  	s20 =	simm.s32 $_scs_section_size  }
0x9a: {  	s4 =	simm.s32 $_size__tile_overlayer_lowered;
	s5 =	simm.s32 $_tile_overlayer_lowered  }
0x9b: {  	s6 =	simm.s32 $0x1BFF;
	s21 =	sshll.u32 s5, $0x1;
	s3 =	sadd.s32 s20, s19  }
0x9c: {  	s22 =	simm.s32 $0x0;
	s4 =	sshll.u32 s4, $0x1;
	s5 =	sadd.s32 s21, s3  }
0x9d: {  	[timem:s22], [sflag:s6] =	dma.local [hbm:s5], s4  }
0x9e: {  	_ =	swait.ge [sflag:s6], s4  }
0x9f: {  	s4 =	ssub.s32 $0x0, s4;
	[sflag:s6] =	ssyncset.done $0x0  }
0xa0: {  	[sflag:s6] =	ssyncadd.s32 s4;
	_ =	sdelay $0x1  }
0xa1: {  	s23 =	simm.s32 $0x1B8B  }
0xa2: {  	_ =	swait.ge [sflag:s23], $0x1  }
0xa3: {  	[sflag:s23] =	ssyncset.done $0x0  }
0xa4: {  	[sflag:s23] =	ssyncadd.s32 $0xFFFFFFFF  }
0xa5: {  	s4 =	sld [smem:$0x0]  }
0xa6: {  	s5 =	sand.u32 $0xFFFFFFFE, s1  }
0xa7: {  	p0 =	sne.s32 s1, s5  }
0xa8: {  	s5 =	sshll.u32 @p0 s5, $0xE  }
0xa9: {  	s5 =	sadd.s32 @p0 $0x11B8D, s5;
	s6 =	sshll.u32 @p0 s4, $0x11  }
0xaa: {  	s5 =	sor.u32 @p0 s6, s5  }
0xab: {  	[sflag:s5] =	ssyncadd.remote.s32 @p0 $0x1;
	_ =	sdelay $0x1  }
0xac: {  	s5 =	simm.s32 @p0 $0x1B8D  }
0xad: {  	_ =	swait.eq @p0 [sflag:s5], $0x1  }
0xae: {  	[sflag:s5] =	ssyncadd.s32 @p0 $0xFFFFFFFF  }
0xaf: {  	s6 =	sshll.u32 @!p0 s1, $0xE  }
0xb0: {  	s6 =	sor.u32 @!p0 $0x4000, s6;
	s5 =	simm.s32 @!p0 $0x1B8D  }
0xb1: {  	s4 =	sshll.u32 @!p0 s4, $0x11;
	s6 =	sadd.s32 @!p0 $0x11B8D, s6;
	_ =	swait.eq @!p0 [sflag:s5], $0x1  }
0xb2: {  	s4 =	sor.u32 @!p0 s4, s6;
	[sflag:s5] =	ssyncadd.s32 @!p0 $0xFFFFFFFF  }
0xb3: {  	s25 =	simm.s32 $0x1B8E;
	s24 =	sld [smem:$0x3FFE];
	[sflag:s4] =	ssyncadd.remote.s32 @!p0 $0x1  }
0xb4: {  	s26 =	simm.s32 $execute0_lowered;
	[smem:$0x3FD2] =	sst s25  }
0xb5: {  	s5 =	sshll.u32 s26, $0x1;
	_ =	strace $0x8000004F;
	[dreg:$0x1] =	wrdreg $0xFFFFFFFF  }
0xb6: {  	s28 =	simm.s32 $_size_execute0_lowered;
	s3 =	sadd.s32 s3, s5;
	[dreg:$0x0] =	wrdreg $0x0  }
0xb7: {  	s5 =	sshll.u32 s28, $0x1;
	[dreg:$0x2] =	wrdreg s3  }
0xb8: {  	[dreg:$0x3] =	wrdreg s5  }
0xb9: {  	[dreg:$0x4] =	wrdreg $0xC0  }
0xba: {  	_ =	task [dreg:s22], $0x5FFFF  }
0xbb: {  	[dreg:$0x1] =	wrdreg $0xFFFFFFFF  }
0xbc: {  	[dreg:$0x0] =	wrdreg $0x60  }
0xbd: {  	[dreg:$0x2] =	wrdreg s24  }
0xbe: {  	[dreg:$0x3] =	wrdreg $0x9  }
0xbf: {  	_ =	task.clear_ibuf [dreg:s22], $0x4FFFF;
	_ =	strace $0x9000004F  }
0xc0: {  	s29 =	simm.s32 $0x9;
	_ =	strace $0x80000051  }
0xc1: {  	_ =	swait.ge [sflag:s29], $0x1  }
0xc2: {  	[sflag:s29] =	ssyncadd.s32 $0xFFFFFFFF  }
0xc3: {  	_ =	strace $0x90000051  }
0xc4: {  	_ =	sfence  }
0xc5: {  	s30 =	sld [smem:$0x0];
	_ =	sdelay $0x2  }
0xc6: {  	s31 =	sshll.u32 s1, $0xD;
	s1 =	sshrl.u32 s1, $0x2  }
0xc7: {  	s4 =	sand.u32 $0x4000, s31;
	s1 =	sadd.s32 s1, s30  }
0xc8: {  	s0 =	sor.u32 s4, s0;
	s1 =	sshll.u32 s1, $0x11  }
0xc9: {  	s0 =	sor.u32 s1, s0  }
0xca: {  	s0 =	sadd.s32 $0x8F2B, s0  }
0xcb: {  	[sflag:s0] =	ssyncadd.remote.s32 $0x1  }
0xcc: {  	_ =	sfence.sel $0xFFFF  }
0xcd: {  	[dreg:$0x0] =	wrdreg $0xFFFFFFFF;
	(pc) =	sbr.abs _section_cstart, $3  }
0xce: {  	[dreg:$0x1] =	wrdreg $0xFFFFFFFF  }
0xcf: {  	_ =	task.clear_ibuf [dreg:s22], $0x2FFFF;
	_ =	strace $0x9FFFFFFF  }
0xd0: {  	(tm) =	ssettm $0x7FFFFFFF  }
0xd1: {  	_ =	shalt  }
tec
execute0_lowered:
.L_overlay_start_1:
0x0: {  	(tag) =	ssettag $0x1  }
0x1: {  	s4 =	rddreg [dreg:$0x0]  }
0x2: {  	s0 =	rddreg [dreg:$0x1];
	s2 =	simm.s32 $0x0;
	s1 =	stileid.u32  }
0x3: {  	s3 =	srdreg.scid;
	s11 =	simm.s32 $0xC80;
	s12 =	simm.s32 $0x1480  }
0x4: {  	s13 =	simm.s32 $0x1880;
	s14 =	simm.s32 $0x2080;
	s15 =	simm.s32 $0x2480  }
0x5: {  	s16 =	simm.s32 $0x2C80;
	s17 =	simm.s32 $0x3080;
	s18 =	simm.s32 $0x3880  }
0x6: {  	s19 =	simm.s32 $0x3C80;
	s20 =	simm.s32 $0x4480;
	s21 =	simm.s32 $0x4880  }
0x7: {  	s22 =	simm.s32 $0x5080;
	s23 =	simm.s32 $0x5480;
	s24 =	simm.s32 $0x5C80  }
0x8: {  	s25 =	simm.s32 $0x1;
	s26 =	simm.s32 $0x0;
	[smem:$0x7FF] =	sst s2  }
0x9: {  	s5 =	sshll.u32 s1, $0x7;
	s6 =	smul.u32 $0xC000, s1;
	s7 =	sand.u32 $0x1, s3  }
0xa: {  	s3 =	sadd.s32 $0x6C00, s4;
	_ =	strace $0x80000050;
	s8 =	sadd.s32 s5, s4  }
0xb: {  	s31 =	ssub.s32 $0x2, s7;
	s10 =	smul.u32 $0x6000, s7;
	s7 =	sshll.u32 s7, $0x6  }
0xc: {  	s6 =	sadd.s32 s6, s4;
	s9 =	sshrl.u32 s31, $0x1;
	s4 =	sadd.s32 $0x6D00, s4  }
0xd: {  	v2 =	vlaneseq.u32;
	s7 =	sadd.s32 s7, s8;
	s8 =	simm.s32 $0x2;
	s5 =	ssub.s32 s31, s9  }
0xe: {  	vm0 =	vmmov $0xffff;
	vm1 =	vmmov $0xff;
	v1 =	vshrl.u32 v2, $0x3;
	s6 =	sadd.s32 s10, s6;
	s7 =	sadd.s32 $0x276C00, s7;
	s9 =	simm.s32 $0x80  }
0xf: {  	v0 =	vand.u32 $0x7, v2;
	v2 =	vor.u32 $0x8, v2;
	v1 =	vmul.u32 $0x8, v1;
	s10 =	simm.s32 $0x880;
	s5 =	smax.u32 s5, $0x1;
	s6 =	sadd.s32 $0x277400, s6  }
.LBB2_1:
0x10: {  	s28 =	smov.u32 s6;
	s29 =	simm.s32 $0x0  }
.LBB2_2:
0x11: {  	s30 =	sadd.s32 s29, s7  }
0x12: {  	[tilespmem:s2], [sflag:$0x2] =	stream.linear.gather [hbm4b:s30+s2], $0x40, $0x38;
	[tilespmem:$0x6080] =	vst v63  }
0x13: {  	_ =	swait.ge [sflag:s8], $0x40  }
0x14: {  	[sflag:s8] =	ssyncset.done $0x0  }
0x15: {  	[sflag:s8] =	ssyncadd.s32 $0xFFFFFFC0  }
0x16: {  	v3 =	vld [tilespmem:$0x0];
	_ =	sdelay $0x4  }
0x17: {  	v4 =	vshrl.u32 v3, $0x3  }
0x18: {  	v4 =	vmul.u32 $0x18, v4  }
0x19: {  	v3 =	vand.u32 $0x7, v3  }
0x1a: {  	v3 =	vor.u32 v3, v4  }
0x1b: {  	v4 =	vperm.xlane v3, v0;
	_ =	sdelay $0x1  }
0x1c: {  	v4 =	vadd.s32 v1, v4;
	_ =	sdelay $0x1  }
0x1d: {  	v3 =	vperm.xlane v3, v2;
	_ =	sdelay $0x1  }
0x1e: {  	v3 =	vadd.s32 v1, v3  }
0x1f: {  	[tilespmem:s9], [sflag:$0x1] =	stream.indirect_vreg.gather [hbm4b:s3+s2], $0x80, v4, vm0, $0xb8;
	[tilespmem:$0x6080] =	vst v63  }
0x20: {  	_ = 	snop  }
0x21: {  	[tilespmem:s10], [sflag:$0x1] =	stream.indirect_vreg.gather [hbm4b:s4+s2], $0x80, v4, vm1, $0xb8;
	[tilespmem:$0x6080] =	vst v63  }
0x22: {  	_ = 	snop  }
0x23: {  	[tilespmem:s11], [sflag:$0x1] =	stream.indirect_vreg.gather [hbm4b:s3+s2], $0x80, v3, vm0, $0xb8;
	[tilespmem:$0x6080] =	vst v63  }
0x24: {  	_ = 	snop  }
0x25: {  	[tilespmem:s12], [sflag:$0x1] =	stream.indirect_vreg.gather [hbm4b:s4+s2], $0x80, v3, vm1, $0xb8;
	[tilespmem:$0x6080] =	vst v63  }
0x26: {  	v3 =	vld [tilespmem:$0x10];
	_ =	sdelay $0x4  }
0x27: {  	v61 =	vshrl.u32 v3, $0x3  }
0x28: {  	v4 =	vmul.u32 $0x18, v61  }
0x29: {  	v3 =	vand.u32 $0x7, v3  }
0x2a: {  	v3 =	vor.u32 v3, v4  }
0x2b: {  	v4 =	vperm.xlane v3, v0;
	_ =	sdelay $0x1  }
0x2c: {  	v4 =	vadd.s32 v1, v4;
	_ =	sdelay $0x1  }
0x2d: {  	v3 =	vperm.xlane v3, v2;
	_ =	sdelay $0x1  }
0x2e: {  	v3 =	vadd.s32 v1, v3  }
0x2f: {  	[tilespmem:s13], [sflag:$0x1] =	stream.indirect_vreg.gather [hbm4b:s3+s2], $0x80, v4, vm0, $0xb8;
	[tilespmem:$0x6080] =	vst v63  }
0x30: {  	_ = 	snop  }
0x31: {  	[tilespmem:s14], [sflag:$0x1] =	stream.indirect_vreg.gather [hbm4b:s4+s2], $0x80, v4, vm1, $0xb8;
	[tilespmem:$0x6080] =	vst v63  }
0x32: {  	_ = 	snop  }
0x33: {  	[tilespmem:s15], [sflag:$0x1] =	stream.indirect_vreg.gather [hbm4b:s3+s2], $0x80, v3, vm0, $0xb8;
	[tilespmem:$0x6080] =	vst v63  }
0x34: {  	_ = 	snop  }
0x35: {  	[tilespmem:s16], [sflag:$0x1] =	stream.indirect_vreg.gather [hbm4b:s4+s2], $0x80, v3, vm1, $0xb8;
	[tilespmem:$0x6080] =	vst v63  }
0x36: {  	v3 =	vld [tilespmem:$0x20];
	_ =	sdelay $0x4  }
0x37: {  	v62 =	vshrl.u32 v3, $0x3  }
0x38: {  	v4 =	vmul.u32 $0x18, v62  }
0x39: {  	v3 =	vand.u32 $0x7, v3  }
0x3a: {  	v3 =	vor.u32 v3, v4  }
0x3b: {  	v4 =	vperm.xlane v3, v0;
	_ =	sdelay $0x1  }
0x3c: {  	v4 =	vadd.s32 v1, v4;
	_ =	sdelay $0x1  }
0x3d: {  	v3 =	vperm.xlane v3, v2;
	_ =	sdelay $0x1  }
0x3e: {  	v3 =	vadd.s32 v1, v3  }
0x3f: {  	[tilespmem:s17], [sflag:$0x1] =	stream.indirect_vreg.gather [hbm4b:s3+s2], $0x80, v4, vm0, $0xb8;
	[tilespmem:$0x6080] =	vst v63  }
0x40: {  	_ = 	snop  }
0x41: {  	[tilespmem:s18], [sflag:$0x1] =	stream.indirect_vreg.gather [hbm4b:s4+s2], $0x80, v4, vm1, $0xb8;
	[tilespmem:$0x6080] =	vst v63  }
0x42: {  	_ = 	snop  }
0x43: {  	[tilespmem:s19], [sflag:$0x1] =	stream.indirect_vreg.gather [hbm4b:s3+s2], $0x80, v3, vm0, $0xb8;
	[tilespmem:$0x6080] =	vst v63  }
0x44: {  	_ = 	snop  }
0x45: {  	[tilespmem:s20], [sflag:$0x1] =	stream.indirect_vreg.gather [hbm4b:s4+s2], $0x80, v3, vm1, $0xb8;
	[tilespmem:$0x6080] =	vst v63  }
0x46: {  	v3 =	vld [tilespmem:$0x30];
	_ =	sdelay $0x4  }
0x47: {  	v63 =	vshrl.u32 v3, $0x3  }
0x48: {  	v4 =	vmul.u32 $0x18, v63  }
0x49: {  	v3 =	vand.u32 $0x7, v3  }
0x4a: {  	v3 =	vor.u32 v3, v4  }
0x4b: {  	v4 =	vperm.xlane v3, v0;
	_ =	sdelay $0x1  }
0x4c: {  	v4 =	vadd.s32 v1, v4;
	_ =	sdelay $0x1  }
0x4d: {  	v3 =	vperm.xlane v3, v2;
	_ =	sdelay $0x1  }
0x4e: {  	v3 =	vadd.s32 v1, v3  }
0x4f: {  	[tilespmem:s21], [sflag:$0x1] =	stream.indirect_vreg.gather [hbm4b:s3+s2], $0x80, v4, vm0, $0xb8;
	[tilespmem:$0x6080] =	vst v63  }
0x50: {  	_ = 	snop  }
0x51: {  	[tilespmem:s22], [sflag:$0x1] =	stream.indirect_vreg.gather [hbm4b:s4+s2], $0x80, v4, vm1, $0xb8;
	[tilespmem:$0x6080] =	vst v63  }
0x52: {  	_ = 	snop  }
0x53: {  	[tilespmem:s23], [sflag:$0x1] =	stream.indirect_vreg.gather [hbm4b:s3+s2], $0x80, v3, vm0, $0xb8;
	[tilespmem:$0x6080] =	vst v63  }
0x54: {  	_ = 	snop  }
0x55: {  	[tilespmem:s24], [sflag:$0x1] =	stream.indirect_vreg.gather [hbm4b:s4+s2], $0x80, v3, vm1, $0xb8;
	[tilespmem:$0x6080] =	vst v63  }
0x56: {  	_ =	swait.ge [sflag:s25], $0x6000  }
0x57: {  	p0 =	sne.s32 s29, $0x38;
	[sflag:s25] =	ssyncset.done $0x0  }
.Ltmp0:
0x58: {  	[sflag:s25] =	ssyncadd.s32 $0xFFFFA000;
	(pc) =	sbr.rel @p0 .LBB2_2-.Ltmp0, $4  }
0x59: {  	[hbm4b:s28+s2] =	stream.linear.scatter [tilespmem:s9], [sflag:$0x2], $0x6000, $0x38;
	[tilespmem:$0x6080] =	vst v63  }
0x5a: {  	_ =	swait.ge [sflag:s8], $0x6000  }
0x5b: {  	[sflag:s8] =	ssyncset.done $0x0  }
0x5c: {  	s29 =	sadd.s32 $0x8, s29;
	s28 =	sadd.s32 $0xC00, s28;
	[sflag:s8] =	ssyncadd.s32 $0xFFFFA000  }
0x5d: {  	s26 =	sadd.s32 $0x1, s26  }
0x5e: {  	p0 =	sne.s32 s26, s5  }
.Ltmp1:
0x5f: {  	_ = 	snop;
	(pc) =	sbr.rel @p0 .LBB2_1-.Ltmp1, $1  }
0x60: {  	_ =	sdelay $0x3  }
0x61: {  	_ =	sfence.sel $0x180000  }
0x62: {  	[bflag:$0x0] =	sbarrier.arrive $0xFFFF  }
0x63: {  	p0 =	sne.s32 s1, $0x0;
	_ =	strace $0x90000050  }
0x64: {  	s0 =	sadd.s32 @!p0 $0x100000, s0;
	[bflag:$0x2] =	sbarrier.arrive $0xFFFF  }
0x65: {  	[sflag:s0] =	ssyncadd.tile.s32 @!p0 $0x1;
	_ =	shalt  }
.Lfunc_end2:
_tile_overlayer_lowered:
.L_overlay_start_2:
0x66: {  	(tag) =	ssettag $0x2  }
0x67: {  	s0 =	rddreg [dreg:$0x0];
	s2 =	stileid.u32  }
0x68: {  	s1 =	rddreg [dreg:$0x1];
	p0 =	sne.s32 s2, $0x0  }
0x69: {  	s3 =	rddreg [dreg:$0x2];
	[bflag:$0x3] =	sbarrier.arrive $0xFFFF;
	s2 =	simm.s32 @!p0 $0x1C02  }
0x6a: {  	[timem:s3], [sflag:s2] =	dma.local @!p0 [hbm:s0], s1  }
0x6b: {  	s0 =	simm.s32 @!p0 $0x2  }
0x6c: {  	_ =	swait.ge @!p0 [sflag:s0], s1  }
0x6d: {  	s1 =	ssub.s32 @!p0 $0x0, s1;
	[sflag:s0] =	ssyncset.done @!p0 $0x0  }
0x6e: {  	[sflag:s0] =	ssyncadd.s32 @!p0 s1  }
0x6f: {  	[bflag:$0x3] =	sbarrier.arrive $0xFFFF  }
0x70: {  	_ =	shalt  }

// kernel: kernel.15.cloned.1.call-start
scs
__scs_entry_jumppad:
0x0: {  	(pc) =	sbr.rel $0x88, $3  }
0x1: {  	(tag) =	ssettag $0x0;
	lr =	simm.s32 $0x1  }
0x2: {  	[smem:$0x3F80] =	sst lr;
	_ =	strace $0xD0000000  }
0x3: {  	_ = 	snop  }
0x4: {  	_ = 	snop  }
0x5: {  	_ = 	snop  }
0x6: {  	_ = 	snop  }
0x7: {  	_ = 	snop  }
__scs_overlays_trampoline_lowered:
0x8: {  	[smem:$0x3F8F] =	sst s0  }
0x9: {  	[smem:$0x3F90] =	sst s1  }
0xa: {  	[smem:$0x3F91] =	sst s2  }
0xb: {  	[smem:$0x3F92] =	sst s3  }
0xc: {  	[smem:$0x3F93] =	sst s4  }
0xd: {  	[smem:$0x3F94] =	sst s5  }
0xe: {  	[smem:$0x3F95] =	sst s6  }
0xf: {  	[smem:$0x3F96] =	sst s7  }
0x10: {  	[smem:$0x3F97] =	sst s8  }
0x11: {  	[smem:$0x3F98] =	sst s9;
	s0 =	simm.s32 @!p0 $0x0  }
0x12: {  	s1 =	sld [smem:$0x3F7E];
	s0 =	simm.s32 @p0 $0x1  }
0x13: {  	[smem:$0x3F99] =	sst s0;
	s0 =	simm.s32 @!p1 $0x0  }
0x14: {  	s2 =	sld [smem:$0x3F7D];
	s0 =	simm.s32 @p1 $0x1  }
0x15: {  	[smem:$0x3F9A] =	sst s0;
	s0 =	simm.s32 @!p2 $0x0  }
0x16: {  	s3 =	sld [smem:$0x3FDB];
	s0 =	simm.s32 @p2 $0x1  }
0x17: {  	s4 =	simm.s32 $0x1BF5;
	[smem:$0x3F9C] =	sst s0  }
0x18: {  	s0 =	sld [smem:$0x3F7F];
	_ =	swait.ge [sflag:s4], $0x0  }
0x19: {  	s7 =	sld [smem:$0x3F80]  }
0x1a: {  	s8 =	sadd.s32 $0xFFFFE003, lr  }
0x1b: {  	s9 =	sadd.s32 $0xFFFFFEF7, lr;
	s5 =	simm.s32 $0xFFFFFFFF;
	p2 =	slt.u32 s8, $0xFFFFF086  }
0x1c: {  	p1 =	slt.u32 s9, $0xF7A;
	s5 =	simm.s32 @!p2 $0x0  }
0x1d: {  	s5 =	simm.s32 @p1 $0x1;
	p0 =	seq.s32 s7, s2  }
0x1e: {  	s7 =	smul.u32 @!p0 $0xF7A, s2;
	p2 =	seq.s32 @!p0 s5, $0x0  }
0x1f: {  	s9 =	smul.u32 $0xF7A, s1;
	s8 =	simm.s32 @!p0 $0x1BF5;
	p2 =	por !p2, p0  }
0x20: {  	[sflag:s8] =	ssyncset.s32 @!p0 $0xFFFFF086;
	s6 =	sadd.s32 @!p0 s3, s7;
	s7 =	simm.s32 @!p0 $0x108  }
0x21: {  	s3 =	sadd.s32 s3, s9;
	s6 =	sadd.s32 @!p0 $0x88, s6;
	s7 =	simm.s32 @p2 $0x1082  }
0x22: {  	[simem:s7], [sflag:s8] =	dma.local @!p0 [hbm:s6], $0xF7A  }
0x23: {  	s9 =	sor.u32 $0xD0000000, s2;
	s6 =	simm.s32 $0x108;
	_ =	swait.ge @!p0 [sflag:s8], $0x0  }
0x24: {  	s3 =	sadd.s32 $0x88, s3;
	s6 =	simm.s32 @!p1 $0x1082;
	[sflag:s4] =	ssyncset.s32 $0xFFFFF086  }
0x25: {  	[simem:s6], [sflag:s4] =	dma.local [hbm:s3], $0xF7A  }
0x26: {  	[smem:$0x3F80] =	sst s1;
	(tag) =	ssettag s2;
	_ =	strace s9  }
0x27: {  	s1 =	sld [smem:$0x3F90]  }
0x28: {  	s2 =	sld [smem:$0x3F91]  }
0x29: {  	s4 =	sld [smem:$0x3F93]  }
0x2a: {  	p0 =	seq.s32 s5, $0x0;
	s5 =	sld [smem:$0x3F94]  }
0x2b: {  	s6 =	sld [smem:$0x3F95]  }
0x2c: {  	s7 =	sld [smem:$0x3F96]  }
0x2d: {  	s3 =	simm.s32 $0x108;
	s8 =	sld [smem:$0x3F97]  }
0x2e: {  	s3 =	simm.s32 @!p0 $0x1082;
	s9 =	sld [smem:$0x3F98]  }
0x2f: {  	lr =	sadd.s32 s0, s3;
	s0 =	sld [smem:$0x3F8F]  }
0x30: {  	s3 =	sld [smem:$0x3F92]  }
0x31: {  	[smem:$0x3F9B] =	sst s10  }
0x32: {  	s10 =	sld [smem:$0x3F99];
	_ =	sdelay $0x3  }
0x33: {  	p0 =	seq.s32 s10, $0x1;
	s10 =	sld [smem:$0x3F9B];
	_ =	sdelay $0x3  }
0x34: {  	[smem:$0x3F9B] =	sst s10  }
0x35: {  	s10 =	sld [smem:$0x3F9A];
	_ =	sdelay $0x3  }
0x36: {  	p1 =	seq.s32 s10, $0x1;
	s10 =	sld [smem:$0x3F9B];
	_ =	sdelay $0x3  }
0x37: {  	[smem:$0x3F9B] =	sst s10  }
0x38: {  	s10 =	sld [smem:$0x3F9C]  }
0x39: {  	_ = 	snop;
	(pc) =	sbr.ind lr, $3  }
0x3a: {  	_ = 	snop  }
0x3b: {  	_ = 	snop  }
0x3c: {  	p2 =	seq.s32 s10, $0x1;
	s10 =	sld [smem:$0x3F9B]  }
0x3d: {  	_ =	shalt  }
0x3e: {  	_ =	shalt  }
0x3f: {  	_ =	shalt  }
0x40: {  	_ =	shalt  }
0x41: {  	_ =	shalt  }
0x42: {  	_ =	shalt  }
0x43: {  	_ =	shalt  }
0x44: {  	_ =	shalt  }
0x45: {  	_ =	shalt  }
0x46: {  	_ =	shalt  }
0x47: {  	_ =	shalt  }
0x48: {  	_ =	shalt  }
0x49: {  	_ =	shalt  }
0x4a: {  	_ =	shalt  }
0x4b: {  	_ =	shalt  }
0x4c: {  	_ =	shalt  }
0x4d: {  	_ =	shalt  }
0x4e: {  	_ =	shalt  }
0x4f: {  	_ =	shalt  }
0x50: {  	_ =	shalt  }
0x51: {  	_ =	shalt  }
0x52: {  	_ =	shalt  }
0x53: {  	_ =	shalt  }
0x54: {  	_ =	shalt  }
0x55: {  	_ =	shalt  }
0x56: {  	_ =	shalt  }
0x57: {  	_ =	shalt  }
0x58: {  	_ =	shalt  }
0x59: {  	_ =	shalt  }
0x5a: {  	_ =	shalt  }
0x5b: {  	_ =	shalt  }
0x5c: {  	_ =	shalt  }
0x5d: {  	_ =	shalt  }
0x5e: {  	_ =	shalt  }
0x5f: {  	_ =	shalt  }
0x60: {  	_ =	shalt  }
0x61: {  	_ =	shalt  }
0x62: {  	_ =	shalt  }
0x63: {  	_ =	shalt  }
0x64: {  	_ =	shalt  }
0x65: {  	_ =	shalt  }
0x66: {  	_ =	shalt  }
0x67: {  	_ =	shalt  }
0x68: {  	_ =	shalt  }
0x69: {  	_ =	shalt  }
0x6a: {  	_ =	shalt  }
0x6b: {  	_ =	shalt  }
0x6c: {  	_ =	shalt  }
0x6d: {  	_ =	shalt  }
0x6e: {  	_ =	shalt  }
0x6f: {  	_ =	shalt  }
0x70: {  	_ =	shalt  }
0x71: {  	_ =	shalt  }
0x72: {  	_ =	shalt  }
0x73: {  	_ =	shalt  }
0x74: {  	_ =	shalt  }
0x75: {  	_ =	shalt  }
0x76: {  	_ =	shalt  }
0x77: {  	_ =	shalt  }
0x78: {  	_ =	shalt  }
0x79: {  	_ =	shalt  }
0x7a: {  	_ =	shalt  }
0x7b: {  	_ =	shalt  }
0x7c: {  	_ =	shalt  }
0x7d: {  	_ =	shalt  }
0x7e: {  	_ =	shalt  }
0x7f: {  	_ =	shalt  }
0x80: {  	_ =	shalt  }
0x81: {  	_ =	shalt  }
0x82: {  	_ =	shalt  }
0x83: {  	_ =	shalt  }
0x84: {  	_ =	shalt  }
0x85: {  	_ =	shalt  }
0x86: {  	_ =	shalt  }
0x87: {  	_ =	shalt  }
.Lfunc_end0:
.L_simem_size_0:
called_computation.1_lowered:
.L_overlay_start_0:
0x88: {  	s2 =	sld [smem:$0x3FD9]  }
0x89: {  	s3 =	sld [smem:$0x3FFE];
	_ =	sdelay $0x1  }
0x8a: {  	s1 =	srdreg.scid  }
0x8b: {  	s0 =	sand.u32 $0x1, s1  }
0x8c: {  	s17 =	sshll.u32 s0, $0xA;
	s2 =	sadd.s32 s3, s2  }
0x8d: {  	s2 =	sadd.s32 s2, s17  }
0x8e: {  	[smem:$0x3FA7] =	sst s2  }
0x8f: {  	_ = 	snop  }
0x90: {  	s18 =	sld [smem:$0x3FD0];
	(tm) =	ssettm $0x1  }
0x91: {  	s19 =	sld [smem:$0x3FFB];
	_ =	sdelay $0x3  }
0x92: {  	_ =	strace s19  }
0x93: {  	s2 =	sld [smem:$0x3FFC];
	_ =	sdelay $0x3  }
0x94: {  	_ =	strace s2  }
0x95: {  	s2 =	sld [smem:$0x3FFD];
	_ =	sdelay $0x3  }
0x96: {  	_ =	strace s2  }
0x97: {  	_ =	strace $0x8FFFFFFF  }
0x98: {  	s20 =	sld [smem:$0x3FDB];
	_ =	sdelay $0x1  }
0x99: {  	s4 =	simm.s32 $_scs_section_size  }
0x9a: {  	s5 =	simm.s32 $_size__tile_overlayer_lowered;
	s6 =	simm.s32 $_tile_overlayer_lowered  }
0x9b: {  	s7 =	simm.s32 $0x1BFF;
	s21 =	sshll.u32 s6, $0x1;
	s4 =	sadd.s32 s4, s20  }
0x9c: {  	s22 =	simm.s32 $0x0;
	s5 =	sshll.u32 s5, $0x1;
	s6 =	sadd.s32 s21, s4  }
0x9d: {  	[timem:s22], [sflag:s7] =	dma.local [hbm:s6], s5  }
0x9e: {  	_ =	swait.ge [sflag:s7], s5  }
0x9f: {  	s5 =	ssub.s32 $0x0, s5;
	[sflag:s7] =	ssyncset.done $0x0  }
0xa0: {  	[sflag:s7] =	ssyncadd.s32 s5;
	_ =	sdelay $0x1  }
0xa1: {  	s23 =	simm.s32 $0x1B8B  }
0xa2: {  	_ =	swait.ge [sflag:s23], $0x1  }
0xa3: {  	[sflag:s23] =	ssyncset.done $0x0  }
0xa4: {  	[sflag:s23] =	ssyncadd.s32 $0xFFFFFFFF  }
0xa5: {  	s5 =	sld [smem:$0x0]  }
0xa6: {  	s6 =	sand.u32 $0xFFFFFFFE, s1  }
0xa7: {  	p0 =	sne.s32 s1, s6  }
0xa8: {  	s6 =	sshll.u32 @p0 s6, $0xE  }
0xa9: {  	s6 =	sadd.s32 @p0 $0x11B8D, s6;
	s7 =	sshll.u32 @p0 s5, $0x11  }
0xaa: {  	s6 =	sor.u32 @p0 s7, s6  }
0xab: {  	[sflag:s6] =	ssyncadd.remote.s32 @p0 $0x1;
	_ =	sdelay $0x1  }
0xac: {  	s6 =	simm.s32 @p0 $0x1B8D  }
0xad: {  	_ =	swait.eq @p0 [sflag:s6], $0x1  }
0xae: {  	[sflag:s6] =	ssyncadd.s32 @p0 $0xFFFFFFFF  }
0xaf: {  	s7 =	sshll.u32 @!p0 s1, $0xE  }
0xb0: {  	s7 =	sor.u32 @!p0 $0x4000, s7;
	s6 =	simm.s32 @!p0 $0x1B8D  }
0xb1: {  	s5 =	sshll.u32 @!p0 s5, $0x11;
	s7 =	sadd.s32 @!p0 $0x11B8D, s7;
	_ =	swait.eq @!p0 [sflag:s6], $0x1  }
0xb2: {  	s5 =	sor.u32 @!p0 s5, s7;
	[sflag:s6] =	ssyncadd.s32 @!p0 $0xFFFFFFFF  }
0xb3: {  	s25 =	simm.s32 $0x1B8E;
	s24 =	sld [smem:$0x3FFE];
	[sflag:s5] =	ssyncadd.remote.s32 @!p0 $0x1  }
0xb4: {  	s26 =	simm.s32 $execute0_lowered;
	[smem:$0x3FD2] =	sst s25  }
0xb5: {  	s6 =	sshll.u32 s26, $0x1;
	_ =	strace $0x8000004C;
	[dreg:$0x1] =	wrdreg $0xFFFFFFFF  }
0xb6: {  	s28 =	simm.s32 $_size_execute0_lowered;
	s4 =	sadd.s32 s4, s6;
	[dreg:$0x0] =	wrdreg $0x0  }
0xb7: {  	s6 =	sshll.u32 s28, $0x1;
	[dreg:$0x2] =	wrdreg s4  }
0xb8: {  	[dreg:$0x3] =	wrdreg s6  }
0xb9: {  	[dreg:$0x4] =	wrdreg $0xC0  }
0xba: {  	_ =	task [dreg:s22], $0x5FFFF  }
0xbb: {  	[dreg:$0x1] =	wrdreg $0xFFFFFFFF  }
0xbc: {  	[dreg:$0x0] =	wrdreg $0x60  }
0xbd: {  	[dreg:$0x2] =	wrdreg s24  }
0xbe: {  	[dreg:$0x3] =	wrdreg s18  }
0xbf: {  	[dreg:$0x4] =	wrdreg $0xA  }
0xc0: {  	_ =	task.clear_ibuf [dreg:s22], $0x5FFFF;
	_ =	strace $0x9000004C  }
0xc1: {  	s29 =	simm.s32 $0xA;
	_ =	strace $0x8000004E  }
0xc2: {  	_ =	swait.ge [sflag:s29], $0x1  }
0xc3: {  	[sflag:s29] =	ssyncadd.s32 $0xFFFFFFFF  }
0xc4: {  	_ =	strace $0x9000004E  }
0xc5: {  	_ =	sfence  }
0xc6: {  	s30 =	sld [smem:$0x0];
	_ =	sdelay $0x2  }
0xc7: {  	s31 =	sshll.u32 s1, $0xD;
	s1 =	sshrl.u32 s1, $0x2  }
0xc8: {  	s4 =	sand.u32 $0x4000, s31;
	s1 =	sadd.s32 s1, s30  }
0xc9: {  	s0 =	sor.u32 s4, s0;
	s1 =	sshll.u32 s1, $0x11  }
0xca: {  	s0 =	sor.u32 s1, s0  }
0xcb: {  	s0 =	sadd.s32 $0x8F2B, s0  }
0xcc: {  	[sflag:s0] =	ssyncadd.remote.s32 $0x1  }
0xcd: {  	_ =	sfence.sel $0xFFFF  }
0xce: {  	[dreg:$0x0] =	wrdreg $0xFFFFFFFF;
	(pc) =	sbr.abs _section_cstart, $3  }
0xcf: {  	[dreg:$0x1] =	wrdreg $0xFFFFFFFF  }
0xd0: {  	_ =	task.clear_ibuf [dreg:s22], $0x2FFFF;
	_ =	strace $0x9FFFFFFF  }
0xd1: {  	(tm) =	ssettm $0x7FFFFFFF  }
tec
execute0_lowered:
.L_overlay_start_1:
0x0: {  	(tag) =	ssettag $0x1  }
0x1: {  	s4 =	rddreg [dreg:$0x0]  }
0x2: {  	s6 =	rddreg [dreg:$0x1]  }
0x3: {  	s0 =	rddreg [dreg:$0x2];
	s3 =	srdreg.scid  }
0x4: {  	s2 =	simm.s32 $0x0;
	s1 =	stileid.u32;
	s12 =	simm.s32 $0x1480  }
0x5: {  	s13 =	simm.s32 $0x1880;
	s14 =	simm.s32 $0x2080;
	s15 =	simm.s32 $0x2480  }
0x6: {  	s16 =	simm.s32 $0x2C80;
	s17 =	simm.s32 $0x3080;
	s18 =	simm.s32 $0x3880  }
0x7: {  	s19 =	simm.s32 $0x3C80;
	s20 =	simm.s32 $0x4480;
	s21 =	simm.s32 $0x4880  }
0x8: {  	s22 =	simm.s32 $0x5080;
	s23 =	simm.s32 $0x5480;
	s24 =	simm.s32 $0x5C80  }
0x9: {  	s25 =	simm.s32 $0x1;
	s26 =	simm.s32 $0x0;
	s5 =	sand.u32 $0x1, s3  }
0xa: {  	[smem:$0x7FF] =	sst s2;
	s7 =	smul.u32 $0xC000, s1;
	s3 =	sadd.s32 $0x6C00, s4  }
0xb: {  	s10 =	sshll.u32 s1, $0x7;
	s8 =	ssub.s32 $0x2, s5;
	_ =	strace $0x8000004D  }
0xc: {  	s30 =	smul.u32 $0x6000, s5;
	s11 =	sshll.u32 s5, $0x6;
	s31 =	sadd.s32 s10, s6  }
0xd: {  	s10 =	simm.s32 $0x880;
	s9 =	sshrl.u32 s8, $0x1;
	s7 =	sadd.s32 s7, s4  }
0xe: {  	v2 =	vlaneseq.u32;
	s4 =	sadd.s32 $0x6D00, s4;
	s8 =	ssub.s32 s8, s9;
	s7 =	sadd.s32 s30, s7  }
0xf: {  	vm0 =	vmmov $0xffff;
	vm1 =	vmmov $0xff;
	v1 =	vshrl.u32 v2, $0x3;
	s9 =	simm.s32 $0x80;
	s5 =	smax.u32 s8, $0x1;
	s6 =	sadd.s32 $0x1B6C00, s7  }
0x10: {  	v0 =	vand.u32 $0x7, v2;
	v2 =	vor.u32 $0x8, v2;
	v1 =	vmul.u32 $0x8, v1;
	s7 =	sadd.s32 s11, s31;
	s8 =	simm.s32 $0x2;
	s11 =	simm.s32 $0xC80  }
.LBB2_1:
0x11: {  	s28 =	smov.u32 s6;
	s29 =	simm.s32 $0x0  }
.LBB2_2:
0x12: {  	s30 =	sadd.s32 s29, s7  }
0x13: {  	[tilespmem:s2], [sflag:$0x2] =	stream.linear.gather [hbm4b:s30+s2], $0x40, $0x38;
	[tilespmem:$0x6080] =	vst v63  }
0x14: {  	_ =	swait.ge [sflag:s8], $0x40  }
0x15: {  	[sflag:s8] =	ssyncset.done $0x0  }
0x16: {  	[sflag:s8] =	ssyncadd.s32 $0xFFFFFFC0  }
0x17: {  	v3 =	vld [tilespmem:$0x0];
	_ =	sdelay $0x4  }
0x18: {  	v4 =	vshrl.u32 v3, $0x3  }
0x19: {  	v4 =	vmul.u32 $0x18, v4  }
0x1a: {  	v3 =	vand.u32 $0x7, v3  }
0x1b: {  	v3 =	vor.u32 v3, v4  }
0x1c: {  	v4 =	vperm.xlane v3, v0;
	_ =	sdelay $0x1  }
0x1d: {  	v4 =	vadd.s32 v1, v4;
	_ =	sdelay $0x1  }
0x1e: {  	v3 =	vperm.xlane v3, v2;
	_ =	sdelay $0x1  }
0x1f: {  	v3 =	vadd.s32 v1, v3  }
0x20: {  	[tilespmem:s9], [sflag:$0x1] =	stream.indirect_vreg.gather [hbm4b:s3+s2], $0x80, v4, vm0, $0xb8;
	[tilespmem:$0x6080] =	vst v63  }
0x21: {  	_ = 	snop  }
0x22: {  	[tilespmem:s10], [sflag:$0x1] =	stream.indirect_vreg.gather [hbm4b:s4+s2], $0x80, v4, vm1, $0xb8;
	[tilespmem:$0x6080] =	vst v63  }
0x23: {  	_ = 	snop  }
0x24: {  	[tilespmem:s11], [sflag:$0x1] =	stream.indirect_vreg.gather [hbm4b:s3+s2], $0x80, v3, vm0, $0xb8;
	[tilespmem:$0x6080] =	vst v63  }
0x25: {  	_ = 	snop  }
0x26: {  	[tilespmem:s12], [sflag:$0x1] =	stream.indirect_vreg.gather [hbm4b:s4+s2], $0x80, v3, vm1, $0xb8;
	[tilespmem:$0x6080] =	vst v63  }
0x27: {  	v3 =	vld [tilespmem:$0x10];
	_ =	sdelay $0x4  }
0x28: {  	v61 =	vshrl.u32 v3, $0x3  }
0x29: {  	v4 =	vmul.u32 $0x18, v61  }
0x2a: {  	v3 =	vand.u32 $0x7, v3  }
0x2b: {  	v3 =	vor.u32 v3, v4  }
0x2c: {  	v4 =	vperm.xlane v3, v0;
	_ =	sdelay $0x1  }
0x2d: {  	v4 =	vadd.s32 v1, v4;
	_ =	sdelay $0x1  }
0x2e: {  	v3 =	vperm.xlane v3, v2;
	_ =	sdelay $0x1  }
0x2f: {  	v3 =	vadd.s32 v1, v3  }
0x30: {  	[tilespmem:s13], [sflag:$0x1] =	stream.indirect_vreg.gather [hbm4b:s3+s2], $0x80, v4, vm0, $0xb8;
	[tilespmem:$0x6080] =	vst v63  }
0x31: {  	_ = 	snop  }
0x32: {  	[tilespmem:s14], [sflag:$0x1] =	stream.indirect_vreg.gather [hbm4b:s4+s2], $0x80, v4, vm1, $0xb8;
	[tilespmem:$0x6080] =	vst v63  }
0x33: {  	_ = 	snop  }
0x34: {  	[tilespmem:s15], [sflag:$0x1] =	stream.indirect_vreg.gather [hbm4b:s3+s2], $0x80, v3, vm0, $0xb8;
	[tilespmem:$0x6080] =	vst v63  }
0x35: {  	_ = 	snop  }
0x36: {  	[tilespmem:s16], [sflag:$0x1] =	stream.indirect_vreg.gather [hbm4b:s4+s2], $0x80, v3, vm1, $0xb8;
	[tilespmem:$0x6080] =	vst v63  }
0x37: {  	v3 =	vld [tilespmem:$0x20];
	_ =	sdelay $0x4  }
0x38: {  	v62 =	vshrl.u32 v3, $0x3  }
0x39: {  	v4 =	vmul.u32 $0x18, v62  }
0x3a: {  	v3 =	vand.u32 $0x7, v3  }
0x3b: {  	v3 =	vor.u32 v3, v4  }
0x3c: {  	v4 =	vperm.xlane v3, v0;
	_ =	sdelay $0x1  }
0x3d: {  	v4 =	vadd.s32 v1, v4;
	_ =	sdelay $0x1  }
0x3e: {  	v3 =	vperm.xlane v3, v2;
	_ =	sdelay $0x1  }
0x3f: {  	v3 =	vadd.s32 v1, v3  }
0x40: {  	[tilespmem:s17], [sflag:$0x1] =	stream.indirect_vreg.gather [hbm4b:s3+s2], $0x80, v4, vm0, $0xb8;
	[tilespmem:$0x6080] =	vst v63  }
0x41: {  	_ = 	snop  }
0x42: {  	[tilespmem:s18], [sflag:$0x1] =	stream.indirect_vreg.gather [hbm4b:s4+s2], $0x80, v4, vm1, $0xb8;
	[tilespmem:$0x6080] =	vst v63  }
0x43: {  	_ = 	snop  }
0x44: {  	[tilespmem:s19], [sflag:$0x1] =	stream.indirect_vreg.gather [hbm4b:s3+s2], $0x80, v3, vm0, $0xb8;
	[tilespmem:$0x6080] =	vst v63  }
0x45: {  	_ = 	snop  }
0x46: {  	[tilespmem:s20], [sflag:$0x1] =	stream.indirect_vreg.gather [hbm4b:s4+s2], $0x80, v3, vm1, $0xb8;
	[tilespmem:$0x6080] =	vst v63  }
0x47: {  	v3 =	vld [tilespmem:$0x30];
	_ =	sdelay $0x4  }
0x48: {  	v63 =	vshrl.u32 v3, $0x3  }
0x49: {  	v4 =	vmul.u32 $0x18, v63  }
0x4a: {  	v3 =	vand.u32 $0x7, v3  }
0x4b: {  	v3 =	vor.u32 v3, v4  }
0x4c: {  	v4 =	vperm.xlane v3, v0;
	_ =	sdelay $0x1  }
0x4d: {  	v4 =	vadd.s32 v1, v4;
	_ =	sdelay $0x1  }
0x4e: {  	v3 =	vperm.xlane v3, v2;
	_ =	sdelay $0x1  }
0x4f: {  	v3 =	vadd.s32 v1, v3  }
0x50: {  	[tilespmem:s21], [sflag:$0x1] =	stream.indirect_vreg.gather [hbm4b:s3+s2], $0x80, v4, vm0, $0xb8;
	[tilespmem:$0x6080] =	vst v63  }
0x51: {  	_ = 	snop  }
0x52: {  	[tilespmem:s22], [sflag:$0x1] =	stream.indirect_vreg.gather [hbm4b:s4+s2], $0x80, v4, vm1, $0xb8;
	[tilespmem:$0x6080] =	vst v63  }
0x53: {  	_ = 	snop  }
0x54: {  	[tilespmem:s23], [sflag:$0x1] =	stream.indirect_vreg.gather [hbm4b:s3+s2], $0x80, v3, vm0, $0xb8;
	[tilespmem:$0x6080] =	vst v63  }
0x55: {  	_ = 	snop  }
0x56: {  	[tilespmem:s24], [sflag:$0x1] =	stream.indirect_vreg.gather [hbm4b:s4+s2], $0x80, v3, vm1, $0xb8;
	[tilespmem:$0x6080] =	vst v63  }
0x57: {  	_ =	swait.ge [sflag:s25], $0x6000  }
0x58: {  	p0 =	sne.s32 s29, $0x38;
	[sflag:s25] =	ssyncset.done $0x0  }
.Ltmp0:
0x59: {  	[sflag:s25] =	ssyncadd.s32 $0xFFFFA000;
	(pc) =	sbr.rel @p0 .LBB2_2-.Ltmp0, $4  }
0x5a: {  	[hbm4b:s28+s2] =	stream.linear.scatter [tilespmem:s9], [sflag:$0x2], $0x6000, $0x38;
	[tilespmem:$0x6080] =	vst v63  }
0x5b: {  	_ =	swait.ge [sflag:s8], $0x6000  }
0x5c: {  	[sflag:s8] =	ssyncset.done $0x0  }
0x5d: {  	s29 =	sadd.s32 $0x8, s29;
	s28 =	sadd.s32 $0xC00, s28;
	[sflag:s8] =	ssyncadd.s32 $0xFFFFA000  }
0x5e: {  	s26 =	sadd.s32 $0x1, s26  }
0x5f: {  	p0 =	sne.s32 s26, s5  }
.Ltmp1:
0x60: {  	_ = 	snop;
	(pc) =	sbr.rel @p0 .LBB2_1-.Ltmp1, $1  }
0x61: {  	_ =	sdelay $0x3  }
0x62: {  	_ =	sfence.sel $0x180000  }
0x63: {  	[bflag:$0x0] =	sbarrier.arrive $0xFFFF  }
0x64: {  	p0 =	sne.s32 s1, $0x0;
	_ =	strace $0x9000004D  }
0x65: {  	s0 =	sadd.s32 @!p0 $0x100000, s0;
	[bflag:$0x2] =	sbarrier.arrive $0xFFFF  }
0x66: {  	[sflag:s0] =	ssyncadd.tile.s32 @!p0 $0x1;
	_ =	shalt  }
.Lfunc_end2:
_tile_overlayer_lowered:
.L_overlay_start_2:
0x67: {  	(tag) =	ssettag $0x2  }
0x68: {  	s0 =	rddreg [dreg:$0x0];
	s2 =	stileid.u32  }
0x69: {  	s1 =	rddreg [dreg:$0x1];
	p0 =	sne.s32 s2, $0x0  }
0x6a: {  	s3 =	rddreg [dreg:$0x2];
	[bflag:$0x3] =	sbarrier.arrive $0xFFFF;
	s2 =	simm.s32 @!p0 $0x1C02  }
0x6b: {  	[timem:s3], [sflag:s2] =	dma.local @!p0 [hbm:s0], s1  }
0x6c: {  	s0 =	simm.s32 @!p0 $0x2  }
0x6d: {  	_ =	swait.ge @!p0 [sflag:s0], s1  }
0x6e: {  	s1 =	ssub.s32 @!p0 $0x0, s1;
	[sflag:s0] =	ssyncset.done @!p0 $0x0  }
0x6f: {  	[sflag:s0] =	ssyncadd.s32 @!p0 s1  }
0x70: {  	[bflag:$0x3] =	sbarrier.arrive $0xFFFF  }
0x71: {  	_ =	shalt  }

// kernel: kernel.18.cloned.1.call-start
scs
__scs_entry_jumppad:
0x0: {  	(pc) =	sbr.rel $0x88, $3  }
0x1: {  	(tag) =	ssettag $0x0;
	lr =	simm.s32 $0x1  }
0x2: {  	[smem:$0x3F80] =	sst lr;
	_ =	strace $0xD0000000  }
0x3: {  	_ = 	snop  }
0x4: {  	_ = 	snop  }
0x5: {  	_ = 	snop  }
0x6: {  	_ = 	snop  }
0x7: {  	_ = 	snop  }
__scs_overlays_trampoline_lowered:
0x8: {  	[smem:$0x3F8F] =	sst s0  }
0x9: {  	[smem:$0x3F90] =	sst s1  }
0xa: {  	[smem:$0x3F91] =	sst s2  }
0xb: {  	[smem:$0x3F92] =	sst s3  }
0xc: {  	[smem:$0x3F93] =	sst s4  }
0xd: {  	[smem:$0x3F94] =	sst s5  }
0xe: {  	[smem:$0x3F95] =	sst s6  }
0xf: {  	[smem:$0x3F96] =	sst s7  }
0x10: {  	[smem:$0x3F97] =	sst s8  }
0x11: {  	[smem:$0x3F98] =	sst s9;
	s0 =	simm.s32 @!p0 $0x0  }
0x12: {  	s1 =	sld [smem:$0x3F7E];
	s0 =	simm.s32 @p0 $0x1  }
0x13: {  	[smem:$0x3F99] =	sst s0;
	s0 =	simm.s32 @!p1 $0x0  }
0x14: {  	s2 =	sld [smem:$0x3F7D];
	s0 =	simm.s32 @p1 $0x1  }
0x15: {  	[smem:$0x3F9A] =	sst s0;
	s0 =	simm.s32 @!p2 $0x0  }
0x16: {  	s3 =	sld [smem:$0x3FDB];
	s0 =	simm.s32 @p2 $0x1  }
0x17: {  	s4 =	simm.s32 $0x1BF5;
	[smem:$0x3F9C] =	sst s0  }
0x18: {  	s0 =	sld [smem:$0x3F7F];
	_ =	swait.ge [sflag:s4], $0x0  }
0x19: {  	s7 =	sld [smem:$0x3F80]  }
0x1a: {  	s8 =	sadd.s32 $0xFFFFE003, lr  }
0x1b: {  	s9 =	sadd.s32 $0xFFFFFEF7, lr;
	s5 =	simm.s32 $0xFFFFFFFF;
	p2 =	slt.u32 s8, $0xFFFFF086  }
0x1c: {  	p1 =	slt.u32 s9, $0xF7A;
	s5 =	simm.s32 @!p2 $0x0  }
0x1d: {  	s5 =	simm.s32 @p1 $0x1;
	p0 =	seq.s32 s7, s2  }
0x1e: {  	s7 =	smul.u32 @!p0 $0xF7A, s2;
	p2 =	seq.s32 @!p0 s5, $0x0  }
0x1f: {  	s9 =	smul.u32 $0xF7A, s1;
	s8 =	simm.s32 @!p0 $0x1BF5;
	p2 =	por !p2, p0  }
0x20: {  	[sflag:s8] =	ssyncset.s32 @!p0 $0xFFFFF086;
	s6 =	sadd.s32 @!p0 s3, s7;
	s7 =	simm.s32 @!p0 $0x108  }
0x21: {  	s3 =	sadd.s32 s3, s9;
	s6 =	sadd.s32 @!p0 $0x88, s6;
	s7 =	simm.s32 @p2 $0x1082  }
0x22: {  	[simem:s7], [sflag:s8] =	dma.local @!p0 [hbm:s6], $0xF7A  }
0x23: {  	s9 =	sor.u32 $0xD0000000, s2;
	s6 =	simm.s32 $0x108;
	_ =	swait.ge @!p0 [sflag:s8], $0x0  }
0x24: {  	s3 =	sadd.s32 $0x88, s3;
	s6 =	simm.s32 @!p1 $0x1082;
	[sflag:s4] =	ssyncset.s32 $0xFFFFF086  }
0x25: {  	[simem:s6], [sflag:s4] =	dma.local [hbm:s3], $0xF7A  }
0x26: {  	[smem:$0x3F80] =	sst s1;
	(tag) =	ssettag s2;
	_ =	strace s9  }
0x27: {  	s1 =	sld [smem:$0x3F90]  }
0x28: {  	s2 =	sld [smem:$0x3F91]  }
0x29: {  	s4 =	sld [smem:$0x3F93]  }
0x2a: {  	p0 =	seq.s32 s5, $0x0;
	s5 =	sld [smem:$0x3F94]  }
0x2b: {  	s6 =	sld [smem:$0x3F95]  }
0x2c: {  	s7 =	sld [smem:$0x3F96]  }
0x2d: {  	s3 =	simm.s32 $0x108;
	s8 =	sld [smem:$0x3F97]  }
0x2e: {  	s3 =	simm.s32 @!p0 $0x1082;
	s9 =	sld [smem:$0x3F98]  }
0x2f: {  	lr =	sadd.s32 s0, s3;
	s0 =	sld [smem:$0x3F8F]  }
0x30: {  	s3 =	sld [smem:$0x3F92]  }
0x31: {  	[smem:$0x3F9B] =	sst s10  }
0x32: {  	s10 =	sld [smem:$0x3F99];
	_ =	sdelay $0x3  }
0x33: {  	p0 =	seq.s32 s10, $0x1;
	s10 =	sld [smem:$0x3F9B];
	_ =	sdelay $0x3  }
0x34: {  	[smem:$0x3F9B] =	sst s10  }
0x35: {  	s10 =	sld [smem:$0x3F9A];
	_ =	sdelay $0x3  }
0x36: {  	p1 =	seq.s32 s10, $0x1;
	s10 =	sld [smem:$0x3F9B];
	_ =	sdelay $0x3  }
0x37: {  	[smem:$0x3F9B] =	sst s10  }
0x38: {  	s10 =	sld [smem:$0x3F9C]  }
0x39: {  	_ = 	snop;
	(pc) =	sbr.ind lr, $3  }
0x3a: {  	_ = 	snop  }
0x3b: {  	_ = 	snop  }
0x3c: {  	p2 =	seq.s32 s10, $0x1;
	s10 =	sld [smem:$0x3F9B]  }
0x3d: {  	_ =	shalt  }
0x3e: {  	_ =	shalt  }
0x3f: {  	_ =	shalt  }
0x40: {  	_ =	shalt  }
0x41: {  	_ =	shalt  }
0x42: {  	_ =	shalt  }
0x43: {  	_ =	shalt  }
0x44: {  	_ =	shalt  }
0x45: {  	_ =	shalt  }
0x46: {  	_ =	shalt  }
0x47: {  	_ =	shalt  }
0x48: {  	_ =	shalt  }
0x49: {  	_ =	shalt  }
0x4a: {  	_ =	shalt  }
0x4b: {  	_ =	shalt  }
0x4c: {  	_ =	shalt  }
0x4d: {  	_ =	shalt  }
0x4e: {  	_ =	shalt  }
0x4f: {  	_ =	shalt  }
0x50: {  	_ =	shalt  }
0x51: {  	_ =	shalt  }
0x52: {  	_ =	shalt  }
0x53: {  	_ =	shalt  }
0x54: {  	_ =	shalt  }
0x55: {  	_ =	shalt  }
0x56: {  	_ =	shalt  }
0x57: {  	_ =	shalt  }
0x58: {  	_ =	shalt  }
0x59: {  	_ =	shalt  }
0x5a: {  	_ =	shalt  }
0x5b: {  	_ =	shalt  }
0x5c: {  	_ =	shalt  }
0x5d: {  	_ =	shalt  }
0x5e: {  	_ =	shalt  }
0x5f: {  	_ =	shalt  }
0x60: {  	_ =	shalt  }
0x61: {  	_ =	shalt  }
0x62: {  	_ =	shalt  }
0x63: {  	_ =	shalt  }
0x64: {  	_ =	shalt  }
0x65: {  	_ =	shalt  }
0x66: {  	_ =	shalt  }
0x67: {  	_ =	shalt  }
0x68: {  	_ =	shalt  }
0x69: {  	_ =	shalt  }
0x6a: {  	_ =	shalt  }
0x6b: {  	_ =	shalt  }
0x6c: {  	_ =	shalt  }
0x6d: {  	_ =	shalt  }
0x6e: {  	_ =	shalt  }
0x6f: {  	_ =	shalt  }
0x70: {  	_ =	shalt  }
0x71: {  	_ =	shalt  }
0x72: {  	_ =	shalt  }
0x73: {  	_ =	shalt  }
0x74: {  	_ =	shalt  }
0x75: {  	_ =	shalt  }
0x76: {  	_ =	shalt  }
0x77: {  	_ =	shalt  }
0x78: {  	_ =	shalt  }
0x79: {  	_ =	shalt  }
0x7a: {  	_ =	shalt  }
0x7b: {  	_ =	shalt  }
0x7c: {  	_ =	shalt  }
0x7d: {  	_ =	shalt  }
0x7e: {  	_ =	shalt  }
0x7f: {  	_ =	shalt  }
0x80: {  	_ =	shalt  }
0x81: {  	_ =	shalt  }
0x82: {  	_ =	shalt  }
0x83: {  	_ =	shalt  }
0x84: {  	_ =	shalt  }
0x85: {  	_ =	shalt  }
0x86: {  	_ =	shalt  }
0x87: {  	_ =	shalt  }
.Lfunc_end0:
.L_simem_size_0:
called_computation.2_lowered:
.L_overlay_start_0:
0x88: {  	s2 =	sld [smem:$0x3FD9]  }
0x89: {  	s3 =	sld [smem:$0x3FFE];
	_ =	sdelay $0x1  }
0x8a: {  	s1 =	srdreg.scid  }
0x8b: {  	s0 =	sand.u32 $0x1, s1  }
0x8c: {  	s17 =	sshll.u32 s0, $0xA;
	s2 =	sadd.s32 s3, s2  }
0x8d: {  	s2 =	sadd.s32 s2, s17  }
0x8e: {  	[smem:$0x3FA7] =	sst s2  }
0x8f: {  	_ = 	snop  }
0x90: {  	(tm) =	ssettm $0x1  }
0x91: {  	s18 =	sld [smem:$0x3FFB];
	_ =	sdelay $0x3  }
0x92: {  	_ =	strace s18  }
0x93: {  	s2 =	sld [smem:$0x3FFC];
	_ =	sdelay $0x3  }
0x94: {  	_ =	strace s2  }
0x95: {  	s2 =	sld [smem:$0x3FFD];
	_ =	sdelay $0x3  }
0x96: {  	_ =	strace s2  }
0x97: {  	_ =	strace $0x8FFFFFFF  }
0x98: {  	s19 =	sld [smem:$0x3FDB];
	_ =	sdelay $0x1  }
0x99: {  	s20 =	simm.s32 $_scs_section_size  }
0x9a: {  	s4 =	simm.s32 $_size__tile_overlayer_lowered;
	s5 =	simm.s32 $_tile_overlayer_lowered  }
0x9b: {  	s6 =	simm.s32 $0x1BFF;
	s21 =	sshll.u32 s5, $0x1;
	s3 =	sadd.s32 s20, s19  }
0x9c: {  	s22 =	simm.s32 $0x0;
	s4 =	sshll.u32 s4, $0x1;
	s5 =	sadd.s32 s21, s3  }
0x9d: {  	[timem:s22], [sflag:s6] =	dma.local [hbm:s5], s4  }
0x9e: {  	_ =	swait.ge [sflag:s6], s4  }
0x9f: {  	s4 =	ssub.s32 $0x0, s4;
	[sflag:s6] =	ssyncset.done $0x0  }
0xa0: {  	[sflag:s6] =	ssyncadd.s32 s4;
	_ =	sdelay $0x1  }
0xa1: {  	s23 =	simm.s32 $0x1B8B  }
0xa2: {  	_ =	swait.ge [sflag:s23], $0x1  }
0xa3: {  	[sflag:s23] =	ssyncset.done $0x0  }
0xa4: {  	[sflag:s23] =	ssyncadd.s32 $0xFFFFFFFF  }
0xa5: {  	s4 =	sld [smem:$0x0]  }
0xa6: {  	s5 =	sand.u32 $0xFFFFFFFE, s1  }
0xa7: {  	p0 =	sne.s32 s1, s5  }
0xa8: {  	s5 =	sshll.u32 @p0 s5, $0xE  }
0xa9: {  	s5 =	sadd.s32 @p0 $0x11B8D, s5;
	s6 =	sshll.u32 @p0 s4, $0x11  }
0xaa: {  	s5 =	sor.u32 @p0 s6, s5  }
0xab: {  	[sflag:s5] =	ssyncadd.remote.s32 @p0 $0x1;
	_ =	sdelay $0x1  }
0xac: {  	s5 =	simm.s32 @p0 $0x1B8D  }
0xad: {  	_ =	swait.eq @p0 [sflag:s5], $0x1  }
0xae: {  	[sflag:s5] =	ssyncadd.s32 @p0 $0xFFFFFFFF  }
0xaf: {  	s6 =	sshll.u32 @!p0 s1, $0xE  }
0xb0: {  	s6 =	sor.u32 @!p0 $0x4000, s6;
	s5 =	simm.s32 @!p0 $0x1B8D  }
0xb1: {  	s4 =	sshll.u32 @!p0 s4, $0x11;
	s6 =	sadd.s32 @!p0 $0x11B8D, s6;
	_ =	swait.eq @!p0 [sflag:s5], $0x1  }
0xb2: {  	s4 =	sor.u32 @!p0 s4, s6;
	[sflag:s5] =	ssyncadd.s32 @!p0 $0xFFFFFFFF  }
0xb3: {  	s25 =	simm.s32 $0x1B8E;
	s24 =	sld [smem:$0x3FFE];
	[sflag:s4] =	ssyncadd.remote.s32 @!p0 $0x1  }
0xb4: {  	s26 =	simm.s32 $execute0_lowered;
	[smem:$0x3FD2] =	sst s25  }
0xb5: {  	s5 =	sshll.u32 s26, $0x1;
	_ =	strace $0x80000049;
	[dreg:$0x1] =	wrdreg $0xFFFFFFFF  }
0xb6: {  	s28 =	simm.s32 $_size_execute0_lowered;
	s3 =	sadd.s32 s3, s5;
	[dreg:$0x0] =	wrdreg $0x0  }
0xb7: {  	s5 =	sshll.u32 s28, $0x1;
	[dreg:$0x2] =	wrdreg s3  }
0xb8: {  	[dreg:$0x3] =	wrdreg s5  }
0xb9: {  	[dreg:$0x4] =	wrdreg $0xC0  }
0xba: {  	_ =	task [dreg:s22], $0x5FFFF  }
0xbb: {  	[dreg:$0x1] =	wrdreg $0xFFFFFFFF  }
0xbc: {  	[dreg:$0x0] =	wrdreg $0x60  }
0xbd: {  	[dreg:$0x2] =	wrdreg s24  }
0xbe: {  	[dreg:$0x3] =	wrdreg $0xB  }
0xbf: {  	_ =	task.clear_ibuf [dreg:s22], $0x4FFFF;
	_ =	strace $0x90000049  }
0xc0: {  	s29 =	simm.s32 $0xB;
	_ =	strace $0x8000004B  }
0xc1: {  	_ =	swait.ge [sflag:s29], $0x1  }
0xc2: {  	[sflag:s29] =	ssyncadd.s32 $0xFFFFFFFF  }
0xc3: {  	_ =	strace $0x9000004B  }
0xc4: {  	_ =	sfence  }
0xc5: {  	s30 =	sld [smem:$0x0];
	_ =	sdelay $0x2  }
0xc6: {  	s31 =	sshll.u32 s1, $0xD;
	s1 =	sshrl.u32 s1, $0x2  }
0xc7: {  	s4 =	sand.u32 $0x4000, s31;
	s1 =	sadd.s32 s1, s30  }
0xc8: {  	s0 =	sor.u32 s4, s0;
	s1 =	sshll.u32 s1, $0x11  }
0xc9: {  	s0 =	sor.u32 s1, s0  }
0xca: {  	s0 =	sadd.s32 $0x8F2B, s0  }
0xcb: {  	[sflag:s0] =	ssyncadd.remote.s32 $0x1  }
0xcc: {  	_ =	sfence.sel $0xFFFF  }
0xcd: {  	[dreg:$0x0] =	wrdreg $0xFFFFFFFF;
	(pc) =	sbr.abs _section_cstart, $3  }
0xce: {  	[dreg:$0x1] =	wrdreg $0xFFFFFFFF  }
0xcf: {  	_ =	task.clear_ibuf [dreg:s22], $0x2FFFF;
	_ =	strace $0x9FFFFFFF  }
0xd0: {  	(tm) =	ssettm $0x7FFFFFFF  }
0xd1: {  	_ =	shalt  }
tec
execute0_lowered:
.L_overlay_start_1:
0x0: {  	(tag) =	ssettag $0x1  }
0x1: {  	s4 =	rddreg [dreg:$0x0]  }
0x2: {  	s0 =	rddreg [dreg:$0x1];
	s2 =	simm.s32 $0x0;
	s1 =	stileid.u32  }
0x3: {  	s3 =	srdreg.scid;
	s11 =	simm.s32 $0xC80;
	s12 =	simm.s32 $0x1480  }
0x4: {  	s13 =	simm.s32 $0x1880;
	s14 =	simm.s32 $0x2080;
	s15 =	simm.s32 $0x2480  }
0x5: {  	s16 =	simm.s32 $0x2C80;
	s17 =	simm.s32 $0x3080;
	s18 =	simm.s32 $0x3880  }
0x6: {  	s19 =	simm.s32 $0x3C80;
	s20 =	simm.s32 $0x4480;
	s21 =	simm.s32 $0x4880  }
0x7: {  	s22 =	simm.s32 $0x5080;
	s23 =	simm.s32 $0x5480;
	s24 =	simm.s32 $0x5C80  }
0x8: {  	s25 =	simm.s32 $0x1;
	s26 =	simm.s32 $0x0;
	[smem:$0x7FF] =	sst s2  }
0x9: {  	s5 =	sshll.u32 s1, $0x7;
	s6 =	smul.u32 $0xC000, s1;
	s7 =	sand.u32 $0x1, s3  }
0xa: {  	s3 =	sadd.s32 $0x6C00, s4;
	_ =	strace $0x8000004A;
	s8 =	sadd.s32 s5, s4  }
0xb: {  	s31 =	ssub.s32 $0x2, s7;
	s10 =	smul.u32 $0x6000, s7;
	s7 =	sshll.u32 s7, $0x6  }
0xc: {  	s6 =	sadd.s32 s6, s4;
	s9 =	sshrl.u32 s31, $0x1;
	s4 =	sadd.s32 $0x6D00, s4  }
0xd: {  	v2 =	vlaneseq.u32;
	s7 =	sadd.s32 s7, s8;
	s8 =	simm.s32 $0x2;
	s5 =	ssub.s32 s31, s9  }
0xe: {  	vm0 =	vmmov $0xffff;
	vm1 =	vmmov $0xff;
	v1 =	vshrl.u32 v2, $0x3;
	s6 =	sadd.s32 s10, s6;
	s7 =	sadd.s32 $0x6400, s7;
	s9 =	simm.s32 $0x80  }
0xf: {  	v0 =	vand.u32 $0x7, v2;
	v2 =	vor.u32 $0x8, v2;
	v1 =	vmul.u32 $0x8, v1;
	s10 =	simm.s32 $0x880;
	s5 =	smax.u32 s5, $0x1;
	s6 =	sadd.s32 $0xF6C00, s6  }
.LBB2_1:
0x10: {  	s28 =	smov.u32 s6;
	s29 =	simm.s32 $0x0  }
.LBB2_2:
0x11: {  	s30 =	sadd.s32 s29, s7  }
0x12: {  	[tilespmem:s2], [sflag:$0x2] =	stream.linear.gather [hbm4b:s30+s2], $0x40, $0x38;
	[tilespmem:$0x6080] =	vst v63  }
0x13: {  	_ =	swait.ge [sflag:s8], $0x40  }
0x14: {  	[sflag:s8] =	ssyncset.done $0x0  }
0x15: {  	[sflag:s8] =	ssyncadd.s32 $0xFFFFFFC0  }
0x16: {  	v3 =	vld [tilespmem:$0x0];
	_ =	sdelay $0x4  }
0x17: {  	v4 =	vshrl.u32 v3, $0x3  }
0x18: {  	v4 =	vmul.u32 $0x18, v4  }
0x19: {  	v3 =	vand.u32 $0x7, v3  }
0x1a: {  	v3 =	vor.u32 v3, v4  }
0x1b: {  	v4 =	vperm.xlane v3, v0;
	_ =	sdelay $0x1  }
0x1c: {  	v4 =	vadd.s32 v1, v4;
	_ =	sdelay $0x1  }
0x1d: {  	v3 =	vperm.xlane v3, v2;
	_ =	sdelay $0x1  }
0x1e: {  	v3 =	vadd.s32 v1, v3  }
0x1f: {  	[tilespmem:s9], [sflag:$0x1] =	stream.indirect_vreg.gather [hbm4b:s3+s2], $0x80, v4, vm0, $0xb8;
	[tilespmem:$0x6080] =	vst v63  }
0x20: {  	_ = 	snop  }
0x21: {  	[tilespmem:s10], [sflag:$0x1] =	stream.indirect_vreg.gather [hbm4b:s4+s2], $0x80, v4, vm1, $0xb8;
	[tilespmem:$0x6080] =	vst v63  }
0x22: {  	_ = 	snop  }
0x23: {  	[tilespmem:s11], [sflag:$0x1] =	stream.indirect_vreg.gather [hbm4b:s3+s2], $0x80, v3, vm0, $0xb8;
	[tilespmem:$0x6080] =	vst v63  }
0x24: {  	_ = 	snop  }
0x25: {  	[tilespmem:s12], [sflag:$0x1] =	stream.indirect_vreg.gather [hbm4b:s4+s2], $0x80, v3, vm1, $0xb8;
	[tilespmem:$0x6080] =	vst v63  }
0x26: {  	v3 =	vld [tilespmem:$0x10];
	_ =	sdelay $0x4  }
0x27: {  	v61 =	vshrl.u32 v3, $0x3  }
0x28: {  	v4 =	vmul.u32 $0x18, v61  }
0x29: {  	v3 =	vand.u32 $0x7, v3  }
0x2a: {  	v3 =	vor.u32 v3, v4  }
0x2b: {  	v4 =	vperm.xlane v3, v0;
	_ =	sdelay $0x1  }
0x2c: {  	v4 =	vadd.s32 v1, v4;
	_ =	sdelay $0x1  }
0x2d: {  	v3 =	vperm.xlane v3, v2;
	_ =	sdelay $0x1  }
0x2e: {  	v3 =	vadd.s32 v1, v3  }
0x2f: {  	[tilespmem:s13], [sflag:$0x1] =	stream.indirect_vreg.gather [hbm4b:s3+s2], $0x80, v4, vm0, $0xb8;
	[tilespmem:$0x6080] =	vst v63  }
0x30: {  	_ = 	snop  }
0x31: {  	[tilespmem:s14], [sflag:$0x1] =	stream.indirect_vreg.gather [hbm4b:s4+s2], $0x80, v4, vm1, $0xb8;
	[tilespmem:$0x6080] =	vst v63  }
0x32: {  	_ = 	snop  }
0x33: {  	[tilespmem:s15], [sflag:$0x1] =	stream.indirect_vreg.gather [hbm4b:s3+s2], $0x80, v3, vm0, $0xb8;
	[tilespmem:$0x6080] =	vst v63  }
0x34: {  	_ = 	snop  }
0x35: {  	[tilespmem:s16], [sflag:$0x1] =	stream.indirect_vreg.gather [hbm4b:s4+s2], $0x80, v3, vm1, $0xb8;
	[tilespmem:$0x6080] =	vst v63  }
0x36: {  	v3 =	vld [tilespmem:$0x20];
	_ =	sdelay $0x4  }
0x37: {  	v62 =	vshrl.u32 v3, $0x3  }
0x38: {  	v4 =	vmul.u32 $0x18, v62  }
0x39: {  	v3 =	vand.u32 $0x7, v3  }
0x3a: {  	v3 =	vor.u32 v3, v4  }
0x3b: {  	v4 =	vperm.xlane v3, v0;
	_ =	sdelay $0x1  }
0x3c: {  	v4 =	vadd.s32 v1, v4;
	_ =	sdelay $0x1  }
0x3d: {  	v3 =	vperm.xlane v3, v2;
	_ =	sdelay $0x1  }
0x3e: {  	v3 =	vadd.s32 v1, v3  }
0x3f: {  	[tilespmem:s17], [sflag:$0x1] =	stream.indirect_vreg.gather [hbm4b:s3+s2], $0x80, v4, vm0, $0xb8;
	[tilespmem:$0x6080] =	vst v63  }
0x40: {  	_ = 	snop  }
0x41: {  	[tilespmem:s18], [sflag:$0x1] =	stream.indirect_vreg.gather [hbm4b:s4+s2], $0x80, v4, vm1, $0xb8;
	[tilespmem:$0x6080] =	vst v63  }
0x42: {  	_ = 	snop  }
0x43: {  	[tilespmem:s19], [sflag:$0x1] =	stream.indirect_vreg.gather [hbm4b:s3+s2], $0x80, v3, vm0, $0xb8;
	[tilespmem:$0x6080] =	vst v63  }
0x44: {  	_ = 	snop  }
0x45: {  	[tilespmem:s20], [sflag:$0x1] =	stream.indirect_vreg.gather [hbm4b:s4+s2], $0x80, v3, vm1, $0xb8;
	[tilespmem:$0x6080] =	vst v63  }
0x46: {  	v3 =	vld [tilespmem:$0x30];
	_ =	sdelay $0x4  }
0x47: {  	v63 =	vshrl.u32 v3, $0x3  }
0x48: {  	v4 =	vmul.u32 $0x18, v63  }
0x49: {  	v3 =	vand.u32 $0x7, v3  }
0x4a: {  	v3 =	vor.u32 v3, v4  }
0x4b: {  	v4 =	vperm.xlane v3, v0;
	_ =	sdelay $0x1  }
0x4c: {  	v4 =	vadd.s32 v1, v4;
	_ =	sdelay $0x1  }
0x4d: {  	v3 =	vperm.xlane v3, v2;
	_ =	sdelay $0x1  }
0x4e: {  	v3 =	vadd.s32 v1, v3  }
0x4f: {  	[tilespmem:s21], [sflag:$0x1] =	stream.indirect_vreg.gather [hbm4b:s3+s2], $0x80, v4, vm0, $0xb8;
	[tilespmem:$0x6080] =	vst v63  }
0x50: {  	_ = 	snop  }
0x51: {  	[tilespmem:s22], [sflag:$0x1] =	stream.indirect_vreg.gather [hbm4b:s4+s2], $0x80, v4, vm1, $0xb8;
	[tilespmem:$0x6080] =	vst v63  }
0x52: {  	_ = 	snop  }
0x53: {  	[tilespmem:s23], [sflag:$0x1] =	stream.indirect_vreg.gather [hbm4b:s3+s2], $0x80, v3, vm0, $0xb8;
	[tilespmem:$0x6080] =	vst v63  }
0x54: {  	_ = 	snop  }
0x55: {  	[tilespmem:s24], [sflag:$0x1] =	stream.indirect_vreg.gather [hbm4b:s4+s2], $0x80, v3, vm1, $0xb8;
	[tilespmem:$0x6080] =	vst v63  }
0x56: {  	_ =	swait.ge [sflag:s25], $0x6000  }
0x57: {  	p0 =	sne.s32 s29, $0x38;
	[sflag:s25] =	ssyncset.done $0x0  }
.Ltmp0:
0x58: {  	[sflag:s25] =	ssyncadd.s32 $0xFFFFA000;
	(pc) =	sbr.rel @p0 .LBB2_2-.Ltmp0, $4  }
0x59: {  	[hbm4b:s28+s2] =	stream.linear.scatter [tilespmem:s9], [sflag:$0x2], $0x6000, $0x38;
	[tilespmem:$0x6080] =	vst v63  }
0x5a: {  	_ =	swait.ge [sflag:s8], $0x6000  }
0x5b: {  	[sflag:s8] =	ssyncset.done $0x0  }
0x5c: {  	s29 =	sadd.s32 $0x8, s29;
	s28 =	sadd.s32 $0xC00, s28;
	[sflag:s8] =	ssyncadd.s32 $0xFFFFA000  }
0x5d: {  	s26 =	sadd.s32 $0x1, s26  }
0x5e: {  	p0 =	sne.s32 s26, s5  }
.Ltmp1:
0x5f: {  	_ = 	snop;
	(pc) =	sbr.rel @p0 .LBB2_1-.Ltmp1, $1  }
0x60: {  	_ =	sdelay $0x3  }
0x61: {  	_ =	sfence.sel $0x180000  }
0x62: {  	[bflag:$0x0] =	sbarrier.arrive $0xFFFF  }
0x63: {  	p0 =	sne.s32 s1, $0x0;
	_ =	strace $0x9000004A  }
0x64: {  	s0 =	sadd.s32 @!p0 $0x100000, s0;
	[bflag:$0x2] =	sbarrier.arrive $0xFFFF  }
0x65: {  	[sflag:s0] =	ssyncadd.tile.s32 @!p0 $0x1;
	_ =	shalt  }
.Lfunc_end2:
_tile_overlayer_lowered:
.L_overlay_start_2:
0x66: {  	(tag) =	ssettag $0x2  }
0x67: {  	s0 =	rddreg [dreg:$0x0];
	s2 =	stileid.u32  }
0x68: {  	s1 =	rddreg [dreg:$0x1];
	p0 =	sne.s32 s2, $0x0  }
0x69: {  	s3 =	rddreg [dreg:$0x2];
	[bflag:$0x3] =	sbarrier.arrive $0xFFFF;
	s2 =	simm.s32 @!p0 $0x1C02  }
0x6a: {  	[timem:s3], [sflag:s2] =	dma.local @!p0 [hbm:s0], s1  }
0x6b: {  	s0 =	simm.s32 @!p0 $0x2  }
0x6c: {  	_ =	swait.ge @!p0 [sflag:s0], s1  }
0x6d: {  	s1 =	ssub.s32 @!p0 $0x0, s1;
	[sflag:s0] =	ssyncset.done @!p0 $0x0  }
0x6e: {  	[sflag:s0] =	ssyncadd.s32 @!p0 s1  }
0x6f: {  	[bflag:$0x3] =	sbarrier.arrive $0xFFFF  }
0x70: {  	_ =	shalt  }

// kernel: kernel.21.cloned.1.call-start
scs
__scs_entry_jumppad:
0x0: {  	(pc) =	sbr.rel $0x88, $3  }
0x1: {  	(tag) =	ssettag $0x0;
	lr =	simm.s32 $0x1  }
0x2: {  	[smem:$0x3F80] =	sst lr;
	_ =	strace $0xD0000000  }
0x3: {  	_ = 	snop  }
0x4: {  	_ = 	snop  }
0x5: {  	_ = 	snop  }
0x6: {  	_ = 	snop  }
0x7: {  	_ = 	snop  }
__scs_overlays_trampoline_lowered:
0x8: {  	[smem:$0x3F8F] =	sst s0  }
0x9: {  	[smem:$0x3F90] =	sst s1  }
0xa: {  	[smem:$0x3F91] =	sst s2  }
0xb: {  	[smem:$0x3F92] =	sst s3  }
0xc: {  	[smem:$0x3F93] =	sst s4  }
0xd: {  	[smem:$0x3F94] =	sst s5  }
0xe: {  	[smem:$0x3F95] =	sst s6  }
0xf: {  	[smem:$0x3F96] =	sst s7  }
0x10: {  	[smem:$0x3F97] =	sst s8  }
0x11: {  	[smem:$0x3F98] =	sst s9;
	s0 =	simm.s32 @!p0 $0x0  }
0x12: {  	s1 =	sld [smem:$0x3F7E];
	s0 =	simm.s32 @p0 $0x1  }
0x13: {  	[smem:$0x3F99] =	sst s0;
	s0 =	simm.s32 @!p1 $0x0  }
0x14: {  	s2 =	sld [smem:$0x3F7D];
	s0 =	simm.s32 @p1 $0x1  }
0x15: {  	[smem:$0x3F9A] =	sst s0;
	s0 =	simm.s32 @!p2 $0x0  }
0x16: {  	s3 =	sld [smem:$0x3FDB];
	s0 =	simm.s32 @p2 $0x1  }
0x17: {  	s4 =	simm.s32 $0x1BF5;
	[smem:$0x3F9C] =	sst s0  }
0x18: {  	s0 =	sld [smem:$0x3F7F];
	_ =	swait.ge [sflag:s4], $0x0  }
0x19: {  	s7 =	sld [smem:$0x3F80]  }
0x1a: {  	s8 =	sadd.s32 $0xFFFFE003, lr  }
0x1b: {  	s9 =	sadd.s32 $0xFFFFFEF7, lr;
	s5 =	simm.s32 $0xFFFFFFFF;
	p2 =	slt.u32 s8, $0xFFFFF086  }
0x1c: {  	p1 =	slt.u32 s9, $0xF7A;
	s5 =	simm.s32 @!p2 $0x0  }
0x1d: {  	s5 =	simm.s32 @p1 $0x1;
	p0 =	seq.s32 s7, s2  }
0x1e: {  	s7 =	smul.u32 @!p0 $0xF7A, s2;
	p2 =	seq.s32 @!p0 s5, $0x0  }
0x1f: {  	s9 =	smul.u32 $0xF7A, s1;
	s8 =	simm.s32 @!p0 $0x1BF5;
	p2 =	por !p2, p0  }
0x20: {  	[sflag:s8] =	ssyncset.s32 @!p0 $0xFFFFF086;
	s6 =	sadd.s32 @!p0 s3, s7;
	s7 =	simm.s32 @!p0 $0x108  }
0x21: {  	s3 =	sadd.s32 s3, s9;
	s6 =	sadd.s32 @!p0 $0x88, s6;
	s7 =	simm.s32 @p2 $0x1082  }
0x22: {  	[simem:s7], [sflag:s8] =	dma.local @!p0 [hbm:s6], $0xF7A  }
0x23: {  	s9 =	sor.u32 $0xD0000000, s2;
	s6 =	simm.s32 $0x108;
	_ =	swait.ge @!p0 [sflag:s8], $0x0  }
0x24: {  	s3 =	sadd.s32 $0x88, s3;
	s6 =	simm.s32 @!p1 $0x1082;
	[sflag:s4] =	ssyncset.s32 $0xFFFFF086  }
0x25: {  	[simem:s6], [sflag:s4] =	dma.local [hbm:s3], $0xF7A  }
0x26: {  	[smem:$0x3F80] =	sst s1;
	(tag) =	ssettag s2;
	_ =	strace s9  }
0x27: {  	s1 =	sld [smem:$0x3F90]  }
0x28: {  	s2 =	sld [smem:$0x3F91]  }
0x29: {  	s4 =	sld [smem:$0x3F93]  }
0x2a: {  	p0 =	seq.s32 s5, $0x0;
	s5 =	sld [smem:$0x3F94]  }
0x2b: {  	s6 =	sld [smem:$0x3F95]  }
0x2c: {  	s7 =	sld [smem:$0x3F96]  }
0x2d: {  	s3 =	simm.s32 $0x108;
	s8 =	sld [smem:$0x3F97]  }
0x2e: {  	s3 =	simm.s32 @!p0 $0x1082;
	s9 =	sld [smem:$0x3F98]  }
0x2f: {  	lr =	sadd.s32 s0, s3;
	s0 =	sld [smem:$0x3F8F]  }
0x30: {  	s3 =	sld [smem:$0x3F92]  }
0x31: {  	[smem:$0x3F9B] =	sst s10  }
0x32: {  	s10 =	sld [smem:$0x3F99];
	_ =	sdelay $0x3  }
0x33: {  	p0 =	seq.s32 s10, $0x1;
	s10 =	sld [smem:$0x3F9B];
	_ =	sdelay $0x3  }
0x34: {  	[smem:$0x3F9B] =	sst s10  }
0x35: {  	s10 =	sld [smem:$0x3F9A];
	_ =	sdelay $0x3  }
0x36: {  	p1 =	seq.s32 s10, $0x1;
	s10 =	sld [smem:$0x3F9B];
	_ =	sdelay $0x3  }
0x37: {  	[smem:$0x3F9B] =	sst s10  }
0x38: {  	s10 =	sld [smem:$0x3F9C]  }
0x39: {  	_ = 	snop;
	(pc) =	sbr.ind lr, $3  }
0x3a: {  	_ = 	snop  }
0x3b: {  	_ = 	snop  }
0x3c: {  	p2 =	seq.s32 s10, $0x1;
	s10 =	sld [smem:$0x3F9B]  }
0x3d: {  	_ =	shalt  }
0x3e: {  	_ =	shalt  }
0x3f: {  	_ =	shalt  }
0x40: {  	_ =	shalt  }
0x41: {  	_ =	shalt  }
0x42: {  	_ =	shalt  }
0x43: {  	_ =	shalt  }
0x44: {  	_ =	shalt  }
0x45: {  	_ =	shalt  }
0x46: {  	_ =	shalt  }
0x47: {  	_ =	shalt  }
0x48: {  	_ =	shalt  }
0x49: {  	_ =	shalt  }
0x4a: {  	_ =	shalt  }
0x4b: {  	_ =	shalt  }
0x4c: {  	_ =	shalt  }
0x4d: {  	_ =	shalt  }
0x4e: {  	_ =	shalt  }
0x4f: {  	_ =	shalt  }
0x50: {  	_ =	shalt  }
0x51: {  	_ =	shalt  }
0x52: {  	_ =	shalt  }
0x53: {  	_ =	shalt  }
0x54: {  	_ =	shalt  }
0x55: {  	_ =	shalt  }
0x56: {  	_ =	shalt  }
0x57: {  	_ =	shalt  }
0x58: {  	_ =	shalt  }
0x59: {  	_ =	shalt  }
0x5a: {  	_ =	shalt  }
0x5b: {  	_ =	shalt  }
0x5c: {  	_ =	shalt  }
0x5d: {  	_ =	shalt  }
0x5e: {  	_ =	shalt  }
0x5f: {  	_ =	shalt  }
0x60: {  	_ =	shalt  }
0x61: {  	_ =	shalt  }
0x62: {  	_ =	shalt  }
0x63: {  	_ =	shalt  }
0x64: {  	_ =	shalt  }
0x65: {  	_ =	shalt  }
0x66: {  	_ =	shalt  }
0x67: {  	_ =	shalt  }
0x68: {  	_ =	shalt  }
0x69: {  	_ =	shalt  }
0x6a: {  	_ =	shalt  }
0x6b: {  	_ =	shalt  }
0x6c: {  	_ =	shalt  }
0x6d: {  	_ =	shalt  }
0x6e: {  	_ =	shalt  }
0x6f: {  	_ =	shalt  }
0x70: {  	_ =	shalt  }
0x71: {  	_ =	shalt  }
0x72: {  	_ =	shalt  }
0x73: {  	_ =	shalt  }
0x74: {  	_ =	shalt  }
0x75: {  	_ =	shalt  }
0x76: {  	_ =	shalt  }
0x77: {  	_ =	shalt  }
0x78: {  	_ =	shalt  }
0x79: {  	_ =	shalt  }
0x7a: {  	_ =	shalt  }
0x7b: {  	_ =	shalt  }
0x7c: {  	_ =	shalt  }
0x7d: {  	_ =	shalt  }
0x7e: {  	_ =	shalt  }
0x7f: {  	_ =	shalt  }
0x80: {  	_ =	shalt  }
0x81: {  	_ =	shalt  }
0x82: {  	_ =	shalt  }
0x83: {  	_ =	shalt  }
0x84: {  	_ =	shalt  }
0x85: {  	_ =	shalt  }
0x86: {  	_ =	shalt  }
0x87: {  	_ =	shalt  }
.Lfunc_end0:
.L_simem_size_0:
called_computation.3_lowered:
.L_overlay_start_0:
0x88: {  	s2 =	sld [smem:$0x3FD9]  }
0x89: {  	s3 =	sld [smem:$0x3FFE];
	_ =	sdelay $0x1  }
0x8a: {  	s1 =	srdreg.scid  }
0x8b: {  	s0 =	sand.u32 $0x1, s1  }
0x8c: {  	s16 =	sshll.u32 s0, $0xA;
	s2 =	sadd.s32 s3, s2  }
0x8d: {  	s2 =	sadd.s32 s2, s16  }
0x8e: {  	[smem:$0x3FA7] =	sst s2  }
0x8f: {  	_ = 	snop  }
0x90: {  	(tm) =	ssettm $0x1  }
0x91: {  	s17 =	sld [smem:$0x3FFB];
	_ =	sdelay $0x3  }
0x92: {  	_ =	strace s17  }
0x93: {  	s2 =	sld [smem:$0x3FFC];
	_ =	sdelay $0x3  }
0x94: {  	_ =	strace s2  }
0x95: {  	s2 =	sld [smem:$0x3FFD];
	_ =	sdelay $0x3  }
0x96: {  	_ =	strace s2  }
0x97: {  	_ =	strace $0x8FFFFFFF  }
0x98: {  	s18 =	sld [smem:$0x3FDB];
	_ =	sdelay $0x1  }
0x99: {  	s19 =	simm.s32 $_scs_section_size  }
0x9a: {  	s4 =	simm.s32 $_size__tile_overlayer_lowered;
	s5 =	simm.s32 $_tile_overlayer_lowered  }
0x9b: {  	s22 =	simm.s32 $0x1BFF;
	s21 =	sshll.u32 s5, $0x1;
	s2 =	sadd.s32 s19, s18  }
0x9c: {  	s6 =	simm.s32 $0x0;
	s20 =	sshll.u32 s4, $0x1;
	s4 =	sadd.s32 s21, s2  }
0x9d: {  	[timem:s6], [sflag:s22] =	dma.local [hbm:s4], s20  }
0x9e: {  	_ =	swait.ge [sflag:s22], s20  }
0x9f: {  	s3 =	ssub.s32 $0x0, s20;
	[sflag:s22] =	ssyncset.done $0x0  }
0xa0: {  	[sflag:s22] =	ssyncadd.s32 s3;
	_ =	sdelay $0x1  }
0xa1: {  	s23 =	simm.s32 $0x1B8B  }
0xa2: {  	_ =	swait.ge [sflag:s23], $0x1  }
0xa3: {  	[sflag:s23] =	ssyncset.done $0x0  }
0xa4: {  	s25 =	simm.s32 $0x1B8E;
	s24 =	sld [smem:$0x3FFE];
	[sflag:s23] =	ssyncadd.s32 $0xFFFFFFFF  }
0xa5: {  	s26 =	simm.s32 $execute0_lowered;
	[smem:$0x3FD2] =	sst s25  }
0xa6: {  	s4 =	sshll.u32 s26, $0x1;
	_ =	strace $0x80000046;
	[dreg:$0x1] =	wrdreg $0xFFFFFFFF  }
0xa7: {  	s28 =	simm.s32 $_size_execute0_lowered;
	s2 =	sadd.s32 s2, s4;
	[dreg:$0x0] =	wrdreg $0x0  }
0xa8: {  	s4 =	sshll.u32 s28, $0x1;
	[dreg:$0x2] =	wrdreg s2  }
0xa9: {  	[dreg:$0x3] =	wrdreg s4  }
0xaa: {  	[dreg:$0x4] =	wrdreg $0xC0  }
0xab: {  	_ =	task [dreg:s6], $0x5FFFF  }
0xac: {  	[dreg:$0x1] =	wrdreg $0xFFFFFFFF  }
0xad: {  	[dreg:$0x0] =	wrdreg $0x60  }
0xae: {  	[dreg:$0x2] =	wrdreg s24  }
0xaf: {  	[dreg:$0x3] =	wrdreg $0xC  }
0xb0: {  	_ =	task.clear_ibuf [dreg:s6], $0x4FFFF;
	_ =	strace $0x90000046  }
0xb1: {  	s29 =	simm.s32 $0xC;
	_ =	strace $0x80000048  }
0xb2: {  	_ =	swait.ge [sflag:s29], $0x1  }
0xb3: {  	[sflag:s29] =	ssyncadd.s32 $0xFFFFFFFF  }
0xb4: {  	_ =	strace $0x90000048  }
0xb5: {  	_ =	sfence  }
0xb6: {  	s30 =	sld [smem:$0x0];
	_ =	sdelay $0x2  }
0xb7: {  	s31 =	sshll.u32 s1, $0xD;
	s1 =	sshrl.u32 s1, $0x2  }
0xb8: {  	s3 =	sand.u32 $0x4000, s31;
	s1 =	sadd.s32 s1, s30  }
0xb9: {  	s0 =	sor.u32 s3, s0;
	s1 =	sshll.u32 s1, $0x11  }
0xba: {  	s0 =	sor.u32 s1, s0  }
0xbb: {  	s0 =	sadd.s32 $0x8F2B, s0  }
0xbc: {  	[sflag:s0] =	ssyncadd.remote.s32 $0x1  }
0xbd: {  	_ =	sfence.sel $0xFFFF  }
0xbe: {  	[dreg:$0x0] =	wrdreg $0xFFFFFFFF;
	(pc) =	sbr.abs _section_cstart, $3  }
0xbf: {  	[dreg:$0x1] =	wrdreg $0xFFFFFFFF  }
0xc0: {  	_ =	task.clear_ibuf [dreg:s6], $0x2FFFF;
	_ =	strace $0x9FFFFFFF  }
0xc1: {  	(tm) =	ssettm $0x7FFFFFFF  }
tec
execute0_lowered:
.L_overlay_start_1:
0x0: {  	(tag) =	ssettag $0x1  }
0x1: {  	s4 =	rddreg [dreg:$0x0]  }
0x2: {  	s0 =	rddreg [dreg:$0x1];
	s2 =	simm.s32 $0x0;
	s1 =	stileid.u32  }
0x3: {  	s3 =	srdreg.scid;
	s11 =	simm.s32 $0xC80;
	s12 =	simm.s32 $0x1480  }
0x4: {  	s13 =	simm.s32 $0x1880;
	s14 =	simm.s32 $0x2080;
	s15 =	simm.s32 $0x2480  }
0x5: {  	s16 =	simm.s32 $0x2C80;
	s17 =	simm.s32 $0x3080;
	s18 =	simm.s32 $0x3880  }
0x6: {  	s19 =	simm.s32 $0x3C80;
	s20 =	simm.s32 $0x4480;
	s21 =	simm.s32 $0x4880  }
0x7: {  	s22 =	simm.s32 $0x5080;
	s23 =	simm.s32 $0x5480;
	s24 =	simm.s32 $0x5C80  }
0x8: {  	s25 =	simm.s32 $0x1;
	s26 =	simm.s32 $0x0;
	[smem:$0x7FF] =	sst s2  }
0x9: {  	s5 =	sshll.u32 s1, $0x7;
	s6 =	smul.u32 $0xC000, s1;
	s7 =	sand.u32 $0x1, s3  }
0xa: {  	s3 =	sadd.s32 $0x6C00, s4;
	_ =	strace $0x80000047;
	s8 =	sadd.s32 s5, s4  }
0xb: {  	s31 =	ssub.s32 $0x2, s7;
	s10 =	smul.u32 $0x6000, s7;
	s7 =	sshll.u32 s7, $0x6  }
0xc: {  	s6 =	sadd.s32 s6, s4;
	s9 =	sshrl.u32 s31, $0x1;
	s4 =	sadd.s32 $0x6D00, s4  }
0xd: {  	v2 =	vlaneseq.u32;
	s7 =	sadd.s32 s7, s8;
	s8 =	simm.s32 $0x2;
	s5 =	ssub.s32 s31, s9  }
0xe: {  	vm0 =	vmmov $0xffff;
	vm1 =	vmmov $0xff;
	v1 =	vshrl.u32 v2, $0x3;
	s6 =	sadd.s32 s10, s6;
	s7 =	sadd.s32 $0x5C00, s7;
	s9 =	simm.s32 $0x80  }
0xf: {  	v0 =	vand.u32 $0x7, v2;
	v2 =	vor.u32 $0x8, v2;
	v1 =	vmul.u32 $0x8, v1;
	s10 =	simm.s32 $0x880;
	s5 =	smax.u32 s5, $0x1;
	s6 =	sadd.s32 $0x36C00, s6  }
.LBB2_1:
0x10: {  	s28 =	smov.u32 s6;
	s29 =	simm.s32 $0x0  }
.LBB2_2:
0x11: {  	s30 =	sadd.s32 s29, s7  }
0x12: {  	[tilespmem:s2], [sflag:$0x2] =	stream.linear.gather [hbm4b:s30+s2], $0x40, $0x38;
	[tilespmem:$0x6080] =	vst v63  }
0x13: {  	_ =	swait.ge [sflag:s8], $0x40  }
0x14: {  	[sflag:s8] =	ssyncset.done $0x0  }
0x15: {  	[sflag:s8] =	ssyncadd.s32 $0xFFFFFFC0  }
0x16: {  	v3 =	vld [tilespmem:$0x0];
	_ =	sdelay $0x4  }
0x17: {  	v4 =	vshrl.u32 v3, $0x3  }
0x18: {  	v4 =	vmul.u32 $0x18, v4  }
0x19: {  	v3 =	vand.u32 $0x7, v3  }
0x1a: {  	v3 =	vor.u32 v3, v4  }
0x1b: {  	v4 =	vperm.xlane v3, v0;
	_ =	sdelay $0x1  }
0x1c: {  	v4 =	vadd.s32 v1, v4;
	_ =	sdelay $0x1  }
0x1d: {  	v3 =	vperm.xlane v3, v2;
	_ =	sdelay $0x1  }
0x1e: {  	v3 =	vadd.s32 v1, v3  }
0x1f: {  	[tilespmem:s9], [sflag:$0x1] =	stream.indirect_vreg.gather [hbm4b:s3+s2], $0x80, v4, vm0, $0xb8;
	[tilespmem:$0x6080] =	vst v63  }
0x20: {  	_ = 	snop  }
0x21: {  	[tilespmem:s10], [sflag:$0x1] =	stream.indirect_vreg.gather [hbm4b:s4+s2], $0x80, v4, vm1, $0xb8;
	[tilespmem:$0x6080] =	vst v63  }
0x22: {  	_ = 	snop  }
0x23: {  	[tilespmem:s11], [sflag:$0x1] =	stream.indirect_vreg.gather [hbm4b:s3+s2], $0x80, v3, vm0, $0xb8;
	[tilespmem:$0x6080] =	vst v63  }
0x24: {  	_ = 	snop  }
0x25: {  	[tilespmem:s12], [sflag:$0x1] =	stream.indirect_vreg.gather [hbm4b:s4+s2], $0x80, v3, vm1, $0xb8;
	[tilespmem:$0x6080] =	vst v63  }
0x26: {  	v3 =	vld [tilespmem:$0x10];
	_ =	sdelay $0x4  }
0x27: {  	v61 =	vshrl.u32 v3, $0x3  }
0x28: {  	v4 =	vmul.u32 $0x18, v61  }
0x29: {  	v3 =	vand.u32 $0x7, v3  }
0x2a: {  	v3 =	vor.u32 v3, v4  }
0x2b: {  	v4 =	vperm.xlane v3, v0;
	_ =	sdelay $0x1  }
0x2c: {  	v4 =	vadd.s32 v1, v4;
	_ =	sdelay $0x1  }
0x2d: {  	v3 =	vperm.xlane v3, v2;
	_ =	sdelay $0x1  }
0x2e: {  	v3 =	vadd.s32 v1, v3  }
0x2f: {  	[tilespmem:s13], [sflag:$0x1] =	stream.indirect_vreg.gather [hbm4b:s3+s2], $0x80, v4, vm0, $0xb8;
	[tilespmem:$0x6080] =	vst v63  }
0x30: {  	_ = 	snop  }
0x31: {  	[tilespmem:s14], [sflag:$0x1] =	stream.indirect_vreg.gather [hbm4b:s4+s2], $0x80, v4, vm1, $0xb8;
	[tilespmem:$0x6080] =	vst v63  }
0x32: {  	_ = 	snop  }
0x33: {  	[tilespmem:s15], [sflag:$0x1] =	stream.indirect_vreg.gather [hbm4b:s3+s2], $0x80, v3, vm0, $0xb8;
	[tilespmem:$0x6080] =	vst v63  }
0x34: {  	_ = 	snop  }
0x35: {  	[tilespmem:s16], [sflag:$0x1] =	stream.indirect_vreg.gather [hbm4b:s4+s2], $0x80, v3, vm1, $0xb8;
	[tilespmem:$0x6080] =	vst v63  }
0x36: {  	v3 =	vld [tilespmem:$0x20];
	_ =	sdelay $0x4  }
0x37: {  	v62 =	vshrl.u32 v3, $0x3  }
0x38: {  	v4 =	vmul.u32 $0x18, v62  }
0x39: {  	v3 =	vand.u32 $0x7, v3  }
0x3a: {  	v3 =	vor.u32 v3, v4  }
0x3b: {  	v4 =	vperm.xlane v3, v0;
	_ =	sdelay $0x1  }
0x3c: {  	v4 =	vadd.s32 v1, v4;
	_ =	sdelay $0x1  }
0x3d: {  	v3 =	vperm.xlane v3, v2;
	_ =	sdelay $0x1  }
0x3e: {  	v3 =	vadd.s32 v1, v3  }
0x3f: {  	[tilespmem:s17], [sflag:$0x1] =	stream.indirect_vreg.gather [hbm4b:s3+s2], $0x80, v4, vm0, $0xb8;
	[tilespmem:$0x6080] =	vst v63  }
0x40: {  	_ = 	snop  }
0x41: {  	[tilespmem:s18], [sflag:$0x1] =	stream.indirect_vreg.gather [hbm4b:s4+s2], $0x80, v4, vm1, $0xb8;
	[tilespmem:$0x6080] =	vst v63  }
0x42: {  	_ = 	snop  }
0x43: {  	[tilespmem:s19], [sflag:$0x1] =	stream.indirect_vreg.gather [hbm4b:s3+s2], $0x80, v3, vm0, $0xb8;
	[tilespmem:$0x6080] =	vst v63  }
0x44: {  	_ = 	snop  }
0x45: {  	[tilespmem:s20], [sflag:$0x1] =	stream.indirect_vreg.gather [hbm4b:s4+s2], $0x80, v3, vm1, $0xb8;
	[tilespmem:$0x6080] =	vst v63  }
0x46: {  	v3 =	vld [tilespmem:$0x30];
	_ =	sdelay $0x4  }
0x47: {  	v63 =	vshrl.u32 v3, $0x3  }
0x48: {  	v4 =	vmul.u32 $0x18, v63  }
0x49: {  	v3 =	vand.u32 $0x7, v3  }
0x4a: {  	v3 =	vor.u32 v3, v4  }
0x4b: {  	v4 =	vperm.xlane v3, v0;
	_ =	sdelay $0x1  }
0x4c: {  	v4 =	vadd.s32 v1, v4;
	_ =	sdelay $0x1  }
0x4d: {  	v3 =	vperm.xlane v3, v2;
	_ =	sdelay $0x1  }
0x4e: {  	v3 =	vadd.s32 v1, v3  }
0x4f: {  	[tilespmem:s21], [sflag:$0x1] =	stream.indirect_vreg.gather [hbm4b:s3+s2], $0x80, v4, vm0, $0xb8;
	[tilespmem:$0x6080] =	vst v63  }
0x50: {  	_ = 	snop  }
0x51: {  	[tilespmem:s22], [sflag:$0x1] =	stream.indirect_vreg.gather [hbm4b:s4+s2], $0x80, v4, vm1, $0xb8;
	[tilespmem:$0x6080] =	vst v63  }
0x52: {  	_ = 	snop  }
0x53: {  	[tilespmem:s23], [sflag:$0x1] =	stream.indirect_vreg.gather [hbm4b:s3+s2], $0x80, v3, vm0, $0xb8;
	[tilespmem:$0x6080] =	vst v63  }
0x54: {  	_ = 	snop  }
0x55: {  	[tilespmem:s24], [sflag:$0x1] =	stream.indirect_vreg.gather [hbm4b:s4+s2], $0x80, v3, vm1, $0xb8;
	[tilespmem:$0x6080] =	vst v63  }
0x56: {  	_ =	swait.ge [sflag:s25], $0x6000  }
0x57: {  	p0 =	sne.s32 s29, $0x38;
	[sflag:s25] =	ssyncset.done $0x0  }
.Ltmp0:
0x58: {  	[sflag:s25] =	ssyncadd.s32 $0xFFFFA000;
	(pc) =	sbr.rel @p0 .LBB2_2-.Ltmp0, $4  }
0x59: {  	[hbm4b:s28+s2] =	stream.linear.scatter [tilespmem:s9], [sflag:$0x2], $0x6000, $0x38;
	[tilespmem:$0x6080] =	vst v63  }
0x5a: {  	_ =	swait.ge [sflag:s8], $0x6000  }
0x5b: {  	[sflag:s8] =	ssyncset.done $0x0  }
0x5c: {  	s29 =	sadd.s32 $0x8, s29;
	s28 =	sadd.s32 $0xC00, s28;
	[sflag:s8] =	ssyncadd.s32 $0xFFFFA000  }
0x5d: {  	s26 =	sadd.s32 $0x1, s26  }
0x5e: {  	p0 =	sne.s32 s26, s5  }
.Ltmp1:
0x5f: {  	_ = 	snop;
	(pc) =	sbr.rel @p0 .LBB2_1-.Ltmp1, $1  }
0x60: {  	_ =	sdelay $0x3  }
0x61: {  	_ =	sfence.sel $0x180000  }
0x62: {  	[bflag:$0x0] =	sbarrier.arrive $0xFFFF  }
0x63: {  	p0 =	sne.s32 s1, $0x0;
	_ =	strace $0x90000047  }
0x64: {  	s0 =	sadd.s32 @!p0 $0x100000, s0;
	[bflag:$0x2] =	sbarrier.arrive $0xFFFF  }
0x65: {  	[sflag:s0] =	ssyncadd.tile.s32 @!p0 $0x1;
	_ =	shalt  }
.Lfunc_end2:
_tile_overlayer_lowered:
.L_overlay_start_2:
0x66: {  	(tag) =	ssettag $0x2  }
0x67: {  	s0 =	rddreg [dreg:$0x0];
	s2 =	stileid.u32  }
0x68: {  	s1 =	rddreg [dreg:$0x1];
	p0 =	sne.s32 s2, $0x0  }
0x69: {  	s3 =	rddreg [dreg:$0x2];
	[bflag:$0x3] =	sbarrier.arrive $0xFFFF;
	s2 =	simm.s32 @!p0 $0x1C02  }
0x6a: {  	[timem:s3], [sflag:s2] =	dma.local @!p0 [hbm:s0], s1  }
0x6b: {  	s0 =	simm.s32 @!p0 $0x2  }
0x6c: {  	_ =	swait.ge @!p0 [sflag:s0], s1  }
0x6d: {  	s1 =	ssub.s32 @!p0 $0x0, s1;
	[sflag:s0] =	ssyncset.done @!p0 $0x0  }
0x6e: {  	[sflag:s0] =	ssyncadd.s32 @!p0 s1  }
0x6f: {  	[bflag:$0x3] =	sbarrier.arrive $0xFFFF  }
0x70: {  	_ =	shalt  }

</sc_bundles>
